<compile_context>
chip_gen: v7x
topology: tpu7x:2x2x1
jax: 0.10.2.dev20260603
libtpu: 0.0.44.dev20260713+nightly
codegen_flags: <defaults>
</compile_context>

<pallas_src>
import jax
import jax.numpy as jnp
from jax.experimental import pallas as pl
from jax.experimental.pallas import tpu as pltpu
from jax.experimental.pallas import tpu_sc as plsc


_D = 128
_MAXP = 90
_LANES = 16
_CH = 80
_NBUF = 4


def kernel(cumulative_positions, embedding):
    b, t = cumulative_positions.shape
    n = b * t

    mesh = plsc.VectorSubcoreMesh(
        core_axis_name="core", subcore_axis_name="subcore"
    )
    num_workers = mesh.num_cores * mesh.num_subcores
    per_worker = n // num_workers
    nch = per_worker // _CH

    idx3 = cumulative_positions.reshape(num_workers, nch, _CH).astype(
        jnp.int32
    )

    @pl.kernel(
        out_type=jax.ShapeDtypeStruct((n, _D), jnp.float32),
        mesh=mesh,
        scratch_types=[
            pltpu.VMEM_SHARED((_MAXP, _D), jnp.float32),
            pltpu.VMEM((nch, _CH), jnp.int32),
            pltpu.VMEM((_NBUF, _CH, _D), jnp.float32),
            pltpu.SemaphoreType.DMA,
            pltpu.SemaphoreType.DMA((_NBUF,)),
            pltpu.SemaphoreType.DMA((_NBUF,)),
        ],
    )
    def gather_kernel(
        table_hbm, i_hbm, o_hbm, table_s, idx_v, out_v, isem, gsem, osem
    ):
        sid = jax.lax.axis_index("subcore")
        wid = sid * mesh.num_cores + jax.lax.axis_index("core")
        row_base = wid * per_worker

        pltpu.async_copy(i_hbm.at[wid], idx_v, isem)

        @pl.when(sid == 0)
        def _():
            pltpu.sync_copy(table_hbm, table_s)

        plsc.subcore_barrier()
        pltpu.make_async_copy(i_hbm.at[wid], idx_v, isem).wait()

        @pl.loop(0, nch)
        def _(c):
            for s in range(_CH // _LANES):
                sl = pl.ds(s * _LANES, _LANES)
                idx_v[c, sl] = jnp.minimum(
                    jnp.maximum(idx_v[c, sl], 0), _MAXP - 1
                )

        @pl.loop(0, nch, step=_NBUF)
        def _(c0):
            for u in range(_NBUF):
                c = c0 + u
                ob = out_v.at[u]

                @pl.when(c >= _NBUF)
                def _():
                    pltpu.make_async_copy(
                        ob,
                        o_hbm.at[pl.ds(row_base + (c - _NBUF) * _CH, _CH)],
                        osem.at[u],
                    ).wait()

                pltpu.async_copy(table_s.at[idx_v.at[c]], ob, gsem.at[u])

                up = (u - 1) % _NBUF

                @pl.when(c >= 1)
                def _():
                    pltpu.make_async_copy(
                        table_s.at[idx_v.at[c - 1]],
                        out_v.at[up],
                        gsem.at[up],
                    ).wait()
                    pltpu.async_copy(
                        out_v.at[up],
                        o_hbm.at[pl.ds(row_base + (c - 1) * _CH, _CH)],
                        osem.at[up],
                    )

        ul = (nch - 1) % _NBUF
        pltpu.make_async_copy(
            table_s.at[idx_v.at[nch - 1]], out_v.at[ul], gsem.at[ul]
        ).wait()
        pltpu.async_copy(
            out_v.at[ul],
            o_hbm.at[pl.ds(row_base + (nch - 1) * _CH, _CH)],
            osem.at[ul],
        )
        for u in range(_NBUF):
            cc = nch - _NBUF + u
            pltpu.make_async_copy(
                out_v.at[u],
                o_hbm.at[pl.ds(row_base + cc * _CH, _CH)],
                osem.at[u],
            ).wait()

    out = gather_kernel(embedding, idx3)
    return out.reshape(b, t, _D)

# --- scband reference (transcript-rebuilt; emitter-appended) ---
"""Pipeline reference for scband-temporal-positional-embedding-59047210385869 (READ-ONLY COPY).

The authoritative reference and input builder live on the scoring server;
editing this copy changes nothing except your own understanding.
"""

import jax, jax.numpy as jnp
import numpy as np

D_MODEL = 128
MAX_POSITION = 90
B = 1024
T = 200

def setup_inputs(seed: int = 0) -> dict:
    key = jax.random.key(seed)
    k1, k2 = jax.random.split(key)
    cumulative_positions = jax.random.randint(k1, (B, T), 0, 120, dtype=jnp.int64 if jax.config.jax_enable_x64 else jnp.int32)
    embedding = jax.random.normal(k2, (MAX_POSITION, D_MODEL), dtype=jnp.float32)
    return {"cumulative_positions": cumulative_positions, "embedding": embedding}

def reference(cumulative_positions, embedding):
    # positions = clamp(cumulative_positions, 0, max_position - 1)
    positions = jnp.clip(cumulative_positions, 0, MAX_POSITION - 1)
    # nn.Embedding lookup -> gather rows of the table
    return jnp.take(embedding, positions, axis=0)  # (B, T, D)

if __name__ == "__main__":
    import jax
    _d = setup_inputs()
    print(jax.jit(kernel)(*tuple(_d.values())))

</pallas_src>

<mosaic_0001>
#map = affine_map<(d0, d1) -> (0, 0)>
#map1 = affine_map<(d0, d1) -> (0, 0, 0)>
module attributes {stable_mosaic.version = 14 : i64} {
  func.func @gather_kernel(%arg0: i32, %arg1: i32, %arg2: memref<90x128xf32, #tpu.memory_space<hbm>>, %arg3: memref<32x80x80xi32, #tpu.memory_space<hbm>>, %arg4: memref<204800x128xf32, #tpu.memory_space<hbm>>, %arg5: memref<90x128xf32, #tpu.memory_space<vmem_shared>>, %arg6: memref<80x80xi32, #tpu.memory_space<vmem>>, %arg7: memref<4x80x128xf32, #tpu.memory_space<vmem>>, %arg8: memref<!tpu.dma_semaphore, #tpu.memory_space<semaphore_mem>>, %arg9: memref<4x!tpu.dma_semaphore, #tpu.memory_space<semaphore_mem>>, %arg10: memref<4x!tpu.dma_semaphore, #tpu.memory_space<semaphore_mem>>) attributes {dimension_semantics = [#tpu.dimension_semantics<core_parallel>, #tpu.dimension_semantics<subcore_parallel>], iteration_bounds = array<i64: 2, 16>, scalar_prefetch = 0 : i64, scratch_operands = 6 : i64, tpu.core_type = #tpu.core_type<sc_vector_subcore>, window_params = [{transform_indices = #map}, {transform_indices = #map1}, {transform_indices = #map}]} {
    %mul3A = arith.constant 2 : i32
    %mul3A_0 = arith.muli %arg1, %mul3A : i32
    %add3A = arith.addi %mul3A_0, %arg0 : i32
    %mul3A_1 = arith.constant 6400 : i32
    %mul3A_2 = arith.muli %add3A, %mul3A_1 : i32
    %dma_start3A = arith.constant 0 : i32
    %dma_start3A_3 = arith.constant 0 : i32
    %dma_start3A_4 = tpu.memref_slice %arg3[%add3A, %dma_start3A, %dma_start3A_3] : memref<32x80x80xi32, #tpu.memory_space<hbm>> -> memref<1x80x80xi32, #tpu.memory_space<hbm>>
    %dma_start3A_5 = tpu.memref_squeeze %dma_start3A_4 : memref<1x80x80xi32, #tpu.memory_space<hbm>> -> memref<80x80xi32, #tpu.memory_space<hbm>>
    %dma_start3A_6 = arith.constant 0 : i32
    %dma_start3A_7 = arith.constant 0 : i32
    %dma_start3A_8 = tpu.memref_slice %arg3[%add3A, %dma_start3A_6, %dma_start3A_7] : memref<32x80x80xi32, #tpu.memory_space<hbm>> -> memref<1x80x80xi32, #tpu.memory_space<hbm>>
    %dma_start3A_9 = tpu.memref_squeeze %dma_start3A_8 : memref<1x80x80xi32, #tpu.memory_space<hbm>> -> memref<80x80xi32, #tpu.memory_space<hbm>>
    tpu.enqueue_dma source(%dma_start3A_9 : memref<80x80xi32, #tpu.memory_space<hbm>>) target(%arg6 : memref<80x80xi32, #tpu.memory_space<vmem>>) target_semaphore(%arg8 : memref<!tpu.dma_semaphore, #tpu.memory_space<semaphore_mem>>)
    %eq3A = arith.constant 0 : i32
    %eq3A_10 = arith.cmpi eq, %arg1, %eq3A : i32
    %convert_element_type3A = arith.extui %eq3A_10 : i1 to i32
    %cond3A = arith.constant 0 : i32
    %cond3A_11 = arith.cmpi ne, %convert_element_type3A, %cond3A : i32
    scf.if %cond3A_11 {
      "tpu.region"() ({
        %run_scoped3A = tpu.sem_alloc : memref<!tpu.dma_semaphore, #tpu.memory_space<semaphore_mem>>
        tpu.enqueue_dma source(%arg2 : memref<90x128xf32, #tpu.memory_space<hbm>>) target(%arg5 : memref<90x128xf32, #tpu.memory_space<vmem_shared>>) target_semaphore(%run_scoped3A : memref<!tpu.dma_semaphore, #tpu.memory_space<semaphore_mem>>)
        tpu.wait_dma2 semaphore(%run_scoped3A : memref<!tpu.dma_semaphore, #tpu.memory_space<semaphore_mem>>) src(%arg2 : memref<90x128xf32, #tpu.memory_space<hbm>>) dst(%arg5 : memref<90x128xf32, #tpu.memory_space<vmem_shared>>)
        tpu.yield
      }) : () -> ()
    } else {
    }
    %barrier3A = arith.constant 0 : index
    tpu.barrier barrier_id(%barrier3A)
    %dma_wait3A = arith.constant 0 : i32
    %dma_wait3A_12 = arith.constant 0 : i32
    %dma_wait3A_13 = tpu.memref_slice %arg3[%add3A, %dma_wait3A, %dma_wait3A_12] : memref<32x80x80xi32, #tpu.memory_space<hbm>> -> memref<1x80x80xi32, #tpu.memory_space<hbm>>
    %dma_wait3A_14 = tpu.memref_squeeze %dma_wait3A_13 : memref<1x80x80xi32, #tpu.memory_space<hbm>> -> memref<80x80xi32, #tpu.memory_space<hbm>>
    %dma_wait3A_15 = arith.constant 0 : i32
    %dma_wait3A_16 = arith.constant 0 : i32
    %dma_wait3A_17 = tpu.memref_slice %arg3[%add3A, %dma_wait3A_15, %dma_wait3A_16] : memref<32x80x80xi32, #tpu.memory_space<hbm>> -> memref<1x80x80xi32, #tpu.memory_space<hbm>>
    %dma_wait3A_18 = tpu.memref_squeeze %dma_wait3A_17 : memref<1x80x80xi32, #tpu.memory_space<hbm>> -> memref<80x80xi32, #tpu.memory_space<hbm>>
    tpu.wait_dma2 semaphore(%arg8 : memref<!tpu.dma_semaphore, #tpu.memory_space<semaphore_mem>>) src(%dma_wait3A_18 : memref<80x80xi32, #tpu.memory_space<hbm>>) dst(%arg6 : memref<80x80xi32, #tpu.memory_space<vmem>>)
    %scan3A = arith.constant 0 : i32
    %scan3A_19 = arith.constant 80 : i32
    %scan3A_20 = arith.addi %scan3A, %scan3A_19 : i32
    %scan3A_21 = arith.constant 1 : i32
    scf.for %scan3A_133 = %scan3A to %scan3A_20 step %scan3A_21  : i32 {
      %mul3A_134 = arith.constant 1 : i32
      %mul3A_135 = arith.muli %scan3A_133, %mul3A_134 : i32
      %add3A_136 = arith.constant 0 : i32
      %add3A_137 = arith.addi %add3A_136, %mul3A_135 : i32
      %get3A = arith.index_cast %add3A_137 : i32 to index
      %get3A_138 = arith.constant 0 : index
      %get3A_139 = tpu.vector_load %arg6[%get3A, %get3A_138] {strides = array<i32>} : memref<80x80xi32, #tpu.memory_space<vmem>>, vector<1x16xi32>,
      %get3A_140 = vector.shape_cast %get3A_139 : vector<1x16xi32> to vector<16xi32>
      %max3A = arith.constant 0 : i32
      %max3A_141 = vector.broadcast %max3A : i32 to vector<16xi32>
      %max3A_142 = arith.maxsi %get3A_140, %max3A_141 : vector<16xi32>
      %min3A = arith.constant 89 : i32
      %min3A_143 = vector.broadcast %min3A : i32 to vector<16xi32>
      %min3A_144 = arith.minsi %max3A_142, %min3A_143 : vector<16xi32>
      %swap3A = arith.index_cast %add3A_137 : i32 to index
      %swap3A_145 = arith.constant 0 : index
      %swap3A_146 = tpu.vector_load %arg6[%swap3A, %swap3A_145] {strides = array<i32>} : memref<80x80xi32, #tpu.memory_space<vmem>>, vector<1x16xi32>,
      %swap3A_147 = vector.shape_cast %swap3A_146 : vector<1x16xi32> to vector<16xi32>
      %swap3A_148 = vector.shape_cast %min3A_144 : vector<16xi32> to vector<1x16xi32>
      tpu.vector_store %arg6[%swap3A, %swap3A_145], %swap3A_148 {strides = array<i32>} : memref<80x80xi32, #tpu.memory_space<vmem>>, vector<1x16xi32>,
      %get3A_149 = arith.index_cast %add3A_137 : i32 to index
      %get3A_150 = arith.constant 16 : index
      %get3A_151 = tpu.vector_load %arg6[%get3A_149, %get3A_150] {strides = array<i32>} : memref<80x80xi32, #tpu.memory_space<vmem>>, vector<1x16xi32>,
      %get3A_152 = vector.shape_cast %get3A_151 : vector<1x16xi32> to vector<16xi32>
      %max3A_153 = arith.constant 0 : i32
      %max3A_154 = vector.broadcast %max3A_153 : i32 to vector<16xi32>
      %max3A_155 = arith.maxsi %get3A_152, %max3A_154 : vector<16xi32>
      %min3A_156 = arith.constant 89 : i32
      %min3A_157 = vector.broadcast %min3A_156 : i32 to vector<16xi32>
      %min3A_158 = arith.minsi %max3A_155, %min3A_157 : vector<16xi32>
      %swap3A_159 = arith.index_cast %add3A_137 : i32 to index
      %swap3A_160 = arith.constant 16 : index
      %swap3A_161 = tpu.vector_load %arg6[%swap3A_159, %swap3A_160] {strides = array<i32>} : memref<80x80xi32, #tpu.memory_space<vmem>>, vector<1x16xi32>,
      %swap3A_162 = vector.shape_cast %swap3A_161 : vector<1x16xi32> to vector<16xi32>
      %swap3A_163 = vector.shape_cast %min3A_158 : vector<16xi32> to vector<1x16xi32>
      tpu.vector_store %arg6[%swap3A_159, %swap3A_160], %swap3A_163 {strides = array<i32>} : memref<80x80xi32, #tpu.memory_space<vmem>>, vector<1x16xi32>,
      %get3A_164 = arith.index_cast %add3A_137 : i32 to index
      %get3A_165 = arith.constant 32 : index
      %get3A_166 = tpu.vector_load %arg6[%get3A_164, %get3A_165] {strides = array<i32>} : memref<80x80xi32, #tpu.memory_space<vmem>>, vector<1x16xi32>,
      %get3A_167 = vector.shape_cast %get3A_166 : vector<1x16xi32> to vector<16xi32>
      %max3A_168 = arith.constant 0 : i32
      %max3A_169 = vector.broadcast %max3A_168 : i32 to vector<16xi32>
      %max3A_170 = arith.maxsi %get3A_167, %max3A_169 : vector<16xi32>
      %min3A_171 = arith.constant 89 : i32
      %min3A_172 = vector.broadcast %min3A_171 : i32 to vector<16xi32>
      %min3A_173 = arith.minsi %max3A_170, %min3A_172 : vector<16xi32>
      %swap3A_174 = arith.index_cast %add3A_137 : i32 to index
      %swap3A_175 = arith.constant 32 : index
      %swap3A_176 = tpu.vector_load %arg6[%swap3A_174, %swap3A_175] {strides = array<i32>} : memref<80x80xi32, #tpu.memory_space<vmem>>, vector<1x16xi32>,
      %swap3A_177 = vector.shape_cast %swap3A_176 : vector<1x16xi32> to vector<16xi32>
      %swap3A_178 = vector.shape_cast %min3A_173 : vector<16xi32> to vector<1x16xi32>
      tpu.vector_store %arg6[%swap3A_174, %swap3A_175], %swap3A_178 {strides = array<i32>} : memref<80x80xi32, #tpu.memory_space<vmem>>, vector<1x16xi32>,
      %get3A_179 = arith.index_cast %add3A_137 : i32 to index
      %get3A_180 = arith.constant 48 : index
      %get3A_181 = tpu.vector_load %arg6[%get3A_179, %get3A_180] {strides = array<i32>} : memref<80x80xi32, #tpu.memory_space<vmem>>, vector<1x16xi32>,
      %get3A_182 = vector.shape_cast %get3A_181 : vector<1x16xi32> to vector<16xi32>
      %max3A_183 = arith.constant 0 : i32
      %max3A_184 = vector.broadcast %max3A_183 : i32 to vector<16xi32>
      %max3A_185 = arith.maxsi %get3A_182, %max3A_184 : vector<16xi32>
      %min3A_186 = arith.constant 89 : i32
      %min3A_187 = vector.broadcast %min3A_186 : i32 to vector<16xi32>
      %min3A_188 = arith.minsi %max3A_185, %min3A_187 : vector<16xi32>
      %swap3A_189 = arith.index_cast %add3A_137 : i32 to index
      %swap3A_190 = arith.constant 48 : index
      %swap3A_191 = tpu.vector_load %arg6[%swap3A_189, %swap3A_190] {strides = array<i32>} : memref<80x80xi32, #tpu.memory_space<vmem>>, vector<1x16xi32>,
      %swap3A_192 = vector.shape_cast %swap3A_191 : vector<1x16xi32> to vector<16xi32>
      %swap3A_193 = vector.shape_cast %min3A_188 : vector<16xi32> to vector<1x16xi32>
      tpu.vector_store %arg6[%swap3A_189, %swap3A_190], %swap3A_193 {strides = array<i32>} : memref<80x80xi32, #tpu.memory_space<vmem>>, vector<1x16xi32>,
      %get3A_194 = arith.index_cast %add3A_137 : i32 to index
      %get3A_195 = arith.constant 64 : index
      %get3A_196 = tpu.vector_load %arg6[%get3A_194, %get3A_195] {strides = array<i32>} : memref<80x80xi32, #tpu.memory_space<vmem>>, vector<1x16xi32>,
      %get3A_197 = vector.shape_cast %get3A_196 : vector<1x16xi32> to vector<16xi32>
      %max3A_198 = arith.constant 0 : i32
      %max3A_199 = vector.broadcast %max3A_198 : i32 to vector<16xi32>
      %max3A_200 = arith.maxsi %get3A_197, %max3A_199 : vector<16xi32>
      %min3A_201 = arith.constant 89 : i32
      %min3A_202 = vector.broadcast %min3A_201 : i32 to vector<16xi32>
      %min3A_203 = arith.minsi %max3A_200, %min3A_202 : vector<16xi32>
      %swap3A_204 = arith.index_cast %add3A_137 : i32 to index
      %swap3A_205 = arith.constant 64 : index
      %swap3A_206 = tpu.vector_load %arg6[%swap3A_204, %swap3A_205] {strides = array<i32>} : memref<80x80xi32, #tpu.memory_space<vmem>>, vector<1x16xi32>,
      %swap3A_207 = vector.shape_cast %swap3A_206 : vector<1x16xi32> to vector<16xi32>
      %swap3A_208 = vector.shape_cast %min3A_203 : vector<16xi32> to vector<1x16xi32>
      tpu.vector_store %arg6[%swap3A_204, %swap3A_205], %swap3A_208 {strides = array<i32>} : memref<80x80xi32, #tpu.memory_space<vmem>>, vector<1x16xi32>,
    }
    %scan3A_22 = arith.constant 80 : i32
    %scan3A_23 = arith.constant 0 : i32
    %scan3A_24 = arith.constant 20 : i32
    %scan3A_25 = arith.addi %scan3A_23, %scan3A_24 : i32
    %scan3A_26 = arith.constant 1 : i32
    scf.for %scan3A_133 = %scan3A_23 to %scan3A_25 step %scan3A_26  : i32 {
      %mul3A_134 = arith.constant 4 : i32
      %mul3A_135 = arith.muli %scan3A_133, %mul3A_134 : i32
      %add3A_136 = arith.constant 0 : i32
      %add3A_137 = arith.addi %add3A_136, %mul3A_135 : i32
      %add3A_138 = arith.constant 0 : i32
      %add3A_139 = arith.addi %add3A_137, %add3A_138 : i32
      %ge3A = arith.constant 4 : i32
      %ge3A_140 = arith.cmpi sge, %add3A_139, %ge3A : i32
      %convert_element_type3A_141 = arith.extui %ge3A_140 : i1 to i32
      %cond3A_142 = arith.constant 0 : i32
      %cond3A_143 = arith.constant 0 : i32
      %cond3A_144 = arith.cmpi ne, %convert_element_type3A_141, %cond3A_143 : i32
      scf.if %cond3A_144 {
        %sub3A = arith.constant 4 : i32
        %sub3A_245 = arith.subi %add3A_139, %sub3A : i32
        %mul3A_246 = arith.constant 80 : i32
        %mul3A_247 = arith.muli %sub3A_245, %mul3A_246 : i32
        %add3A_248 = arith.addi %mul3A_2, %mul3A_247 : i32
        %dma_wait3A_249 = arith.constant 0 : i32
        %dma_wait3A_250 = arith.constant 0 : i32
        %dma_wait3A_251 = arith.constant 0 : i32
        %dma_wait3A_252 = tpu.memref_slice %arg7[%cond3A_142, %dma_wait3A_250, %dma_wait3A_251] : memref<4x80x128xf32, #tpu.memory_space<vmem>> -> memref<1x80x128xf32, #tpu.memory_space<vmem>>
        %dma_wait3A_253 = tpu.memref_squeeze %dma_wait3A_252 : memref<1x80x128xf32, #tpu.memory_space<vmem>> -> memref<80x128xf32, #tpu.memory_space<vmem>>
        %dma_wait3A_254 = arith.constant 0 : i32
        %dma_wait3A_255 = tpu.memref_slice %arg4[%add3A_248, %dma_wait3A_254] : memref<204800x128xf32, #tpu.memory_space<hbm>> -> memref<80x128xf32, #tpu.memory_space<hbm>>
        %dma_wait3A_256 = tpu.memref_slice %arg10[%dma_wait3A_249] : memref<4x!tpu.dma_semaphore, #tpu.memory_space<semaphore_mem>> -> memref<1x!tpu.dma_semaphore, #tpu.memory_space<semaphore_mem>>
        %dma_wait3A_257 = tpu.memref_squeeze %dma_wait3A_256 : memref<1x!tpu.dma_semaphore, #tpu.memory_space<semaphore_mem>> -> memref<!tpu.dma_semaphore, #tpu.memory_space<semaphore_mem>>
        %dma_wait3A_258 = arith.constant 0 : i32
        %dma_wait3A_259 = tpu.memref_slice %arg4[%add3A_248, %dma_wait3A_258] : memref<204800x128xf32, #tpu.memory_space<hbm>> -> memref<80x128xf32, #tpu.memory_space<hbm>>
        %dma_wait3A_260 = arith.constant 0 : i32
        %dma_wait3A_261 = arith.constant 0 : i32
        %dma_wait3A_262 = tpu.memref_slice %arg7[%cond3A_142, %dma_wait3A_260, %dma_wait3A_261] : memref<4x80x128xf32, #tpu.memory_space<vmem>> -> memref<1x80x128xf32, #tpu.memory_space<vmem>>
        %dma_wait3A_263 = tpu.memref_squeeze %dma_wait3A_262 : memref<1x80x128xf32, #tpu.memory_space<vmem>> -> memref<80x128xf32, #tpu.memory_space<vmem>>
        tpu.wait_dma2 semaphore(%dma_wait3A_257 : memref<!tpu.dma_semaphore, #tpu.memory_space<semaphore_mem>>) src(%dma_wait3A_263 : memref<80x128xf32, #tpu.memory_space<vmem>>) dst(%dma_wait3A_259 : memref<80x128xf32, #tpu.memory_space<hbm>>)
      } else {
      }
      %dma_start3A_145 = arith.constant 0 : i32
      %dma_start3A_146 = arith.constant 0 : i32
      %dma_start3A_147 = arith.constant 0 : i32
      %dma_start3A_148 = arith.constant 0 : i32
      %dma_start3A_149 = tpu.memref_slice %arg7[%dma_start3A_145, %dma_start3A_147, %dma_start3A_148] : memref<4x80x128xf32, #tpu.memory_space<vmem>> -> memref<1x80x128xf32, #tpu.memory_space<vmem>>
      %dma_start3A_150 = tpu.memref_squeeze %dma_start3A_149 : memref<1x80x128xf32, #tpu.memory_space<vmem>> -> memref<80x128xf32, #tpu.memory_space<vmem>>
      %dma_start3A_151 = arith.constant 0 : i32
      %dma_start3A_152 = tpu.memref_slice %arg6[%add3A_139, %dma_start3A_151] : memref<80x80xi32, #tpu.memory_space<vmem>> -> memref<1x80xi32, #tpu.memory_space<vmem>>
      %dma_start3A_153 = tpu.memref_squeeze %dma_start3A_152 : memref<1x80xi32, #tpu.memory_space<vmem>> -> memref<80xi32, #tpu.memory_space<vmem>>
      %dma_start3A_154 = arith.constant 0 : i32
      %dma_start3A_155 = arith.constant 0 : i32
      %dma_start3A_156 = tpu.memref_slice %arg5[%dma_start3A_154, %dma_start3A_155] : memref<90x128xf32, #tpu.memory_space<vmem_shared>> -> memref<90x128xf32, #tpu.memory_space<vmem_shared>>
      %dma_start3A_157 = tpu.memref_slice %arg9[%dma_start3A_146] : memref<4x!tpu.dma_semaphore, #tpu.memory_space<semaphore_mem>> -> memref<1x!tpu.dma_semaphore, #tpu.memory_space<semaphore_mem>>
      %dma_start3A_158 = tpu.memref_squeeze %dma_start3A_157 : memref<1x!tpu.dma_semaphore, #tpu.memory_space<semaphore_mem>> -> memref<!tpu.dma_semaphore, #tpu.memory_space<semaphore_mem>>
      tpu.enqueue_indirect_dma source(%dma_start3A_156 : memref<90x128xf32, #tpu.memory_space<vmem_shared>>) target(%dma_start3A_150 : memref<80x128xf32, #tpu.memory_space<vmem>>) offsets(%dma_start3A_153 : memref<80xi32, #tpu.memory_space<vmem>>) semaphore(%dma_start3A_158 : memref<!tpu.dma_semaphore, #tpu.memory_space<semaphore_mem>>)
      %ge3A_159 = arith.constant 1 : i32
      %ge3A_160 = arith.cmpi sge, %add3A_139, %ge3A_159 : i32
      %convert_element_type3A_161 = arith.extui %ge3A_160 : i1 to i32
      %cond3A_162 = arith.constant 0 : i32
      %cond3A_163 = arith.cmpi ne, %convert_element_type3A_161, %cond3A_162 : i32
      scf.if %cond3A_163 {
        %sub3A = arith.constant 1 : i32
        %sub3A_245 = arith.subi %add3A_139, %sub3A : i32
        %dma_wait3A_246 = arith.constant 3 : i32
        %dma_wait3A_247 = arith.constant 3 : i32
        %dma_wait3A_248 = arith.constant 0 : i32
        %dma_wait3A_249 = arith.constant 0 : i32
        %dma_wait3A_250 = tpu.memref_slice %arg7[%dma_wait3A_246, %dma_wait3A_248, %dma_wait3A_249] : memref<4x80x128xf32, #tpu.memory_space<vmem>> -> memref<1x80x128xf32, #tpu.memory_space<vmem>>
        %dma_wait3A_251 = tpu.memref_squeeze %dma_wait3A_250 : memref<1x80x128xf32, #tpu.memory_space<vmem>> -> memref<80x128xf32, #tpu.memory_space<vmem>>
        %dma_wait3A_252 = arith.constant 0 : i32
        %dma_wait3A_253 = tpu.memref_slice %arg6[%sub3A_245, %dma_wait3A_252] : memref<80x80xi32, #tpu.memory_space<vmem>> -> memref<1x80xi32, #tpu.memory_space<vmem>>
        %dma_wait3A_254 = tpu.memref_squeeze %dma_wait3A_253 : memref<1x80xi32, #tpu.memory_space<vmem>> -> memref<80xi32, #tpu.memory_space<vmem>>
        %dma_wait3A_255 = arith.constant 0 : i32
        %dma_wait3A_256 = arith.constant 0 : i32
        %dma_wait3A_257 = tpu.memref_slice %arg5[%dma_wait3A_255, %dma_wait3A_256] : memref<90x128xf32, #tpu.memory_space<vmem_shared>> -> memref<90x128xf32, #tpu.memory_space<vmem_shared>>
        %dma_wait3A_258 = tpu.memref_slice %arg9[%dma_wait3A_247] : memref<4x!tpu.dma_semaphore, #tpu.memory_space<semaphore_mem>> -> memref<1x!tpu.dma_semaphore, #tpu.memory_space<semaphore_mem>>
        %dma_wait3A_259 = tpu.memref_squeeze %dma_wait3A_258 : memref<1x!tpu.dma_semaphore, #tpu.memory_space<semaphore_mem>> -> memref<!tpu.dma_semaphore, #tpu.memory_space<semaphore_mem>>
        tpu.wait_indirect_dma semaphore(%dma_wait3A_259 : memref<!tpu.dma_semaphore, #tpu.memory_space<semaphore_mem>>) src(%dma_wait3A_257 : memref<90x128xf32, #tpu.memory_space<vmem_shared>>) dst(%dma_wait3A_251 : memref<80x128xf32, #tpu.memory_space<vmem>>)
        %sub3A_260 = arith.constant 1 : i32
        %sub3A_261 = arith.subi %add3A_139, %sub3A_260 : i32
        %mul3A_262 = arith.constant 80 : i32
        %mul3A_263 = arith.muli %sub3A_261, %mul3A_262 : i32
        %add3A_264 = arith.addi %mul3A_2, %mul3A_263 : i32
        %dma_start3A_265 = arith.constant 3 : i32
        %dma_start3A_266 = arith.constant 3 : i32
        %dma_start3A_267 = arith.constant 0 : i32
        %dma_start3A_268 = arith.constant 0 : i32
        %dma_start3A_269 = tpu.memref_slice %arg7[%dma_start3A_265, %dma_start3A_267, %dma_start3A_268] : memref<4x80x128xf32, #tpu.memory_space<vmem>> -> memref<1x80x128xf32, #tpu.memory_space<vmem>>
        %dma_start3A_270 = tpu.memref_squeeze %dma_start3A_269 : memref<1x80x128xf32, #tpu.memory_space<vmem>> -> memref<80x128xf32, #tpu.memory_space<vmem>>
        %dma_start3A_271 = arith.constant 0 : i32
        %dma_start3A_272 = tpu.memref_slice %arg4[%add3A_264, %dma_start3A_271] : memref<204800x128xf32, #tpu.memory_space<hbm>> -> memref<80x128xf32, #tpu.memory_space<hbm>>
        %dma_start3A_273 = tpu.memref_slice %arg10[%dma_start3A_266] : memref<4x!tpu.dma_semaphore, #tpu.memory_space<semaphore_mem>> -> memref<1x!tpu.dma_semaphore, #tpu.memory_space<semaphore_mem>>
        %dma_start3A_274 = tpu.memref_squeeze %dma_start3A_273 : memref<1x!tpu.dma_semaphore, #tpu.memory_space<semaphore_mem>> -> memref<!tpu.dma_semaphore, #tpu.memory_space<semaphore_mem>>
        %dma_start3A_275 = arith.constant 0 : i32
        %dma_start3A_276 = tpu.memref_slice %arg4[%add3A_264, %dma_start3A_275] : memref<204800x128xf32, #tpu.memory_space<hbm>> -> memref<80x128xf32, #tpu.memory_space<hbm>>
        %dma_start3A_277 = arith.constant 0 : i32
        %dma_start3A_278 = arith.constant 0 : i32
        %dma_start3A_279 = tpu.memref_slice %arg7[%dma_start3A_265, %dma_start3A_277, %dma_start3A_278] : memref<4x80x128xf32, #tpu.memory_space<vmem>> -> memref<1x80x128xf32, #tpu.memory_space<vmem>>
        %dma_start3A_280 = tpu.memref_squeeze %dma_start3A_279 : memref<1x80x128xf32, #tpu.memory_space<vmem>> -> memref<80x128xf32, #tpu.memory_space<vmem>>
        tpu.enqueue_dma source(%dma_start3A_280 : memref<80x128xf32, #tpu.memory_space<vmem>>) target(%dma_start3A_276 : memref<80x128xf32, #tpu.memory_space<hbm>>) target_semaphore(%dma_start3A_274 : memref<!tpu.dma_semaphore, #tpu.memory_space<semaphore_mem>>)
      } else {
      }
      %add3A_164 = arith.constant 1 : i32
      %add3A_165 = arith.addi %add3A_137, %add3A_164 : i32
      %ge3A_166 = arith.constant 4 : i32
      %ge3A_167 = arith.cmpi sge, %add3A_165, %ge3A_166 : i32
      %convert_element_type3A_168 = arith.extui %ge3A_167 : i1 to i32
      %cond3A_169 = arith.constant 1 : i32
      %cond3A_170 = arith.constant 0 : i32
      %cond3A_171 = arith.cmpi ne, %convert_element_type3A_168, %cond3A_170 : i32
      scf.if %cond3A_171 {
        %sub3A = arith.constant 4 : i32
        %sub3A_245 = arith.subi %add3A_165, %sub3A : i32
        %mul3A_246 = arith.constant 80 : i32
        %mul3A_247 = arith.muli %sub3A_245, %mul3A_246 : i32
        %add3A_248 = arith.addi %mul3A_2, %mul3A_247 : i32
        %dma_wait3A_249 = arith.constant 1 : i32
        %dma_wait3A_250 = arith.constant 0 : i32
        %dma_wait3A_251 = arith.constant 0 : i32
        %dma_wait3A_252 = tpu.memref_slice %arg7[%cond3A_169, %dma_wait3A_250, %dma_wait3A_251] : memref<4x80x128xf32, #tpu.memory_space<vmem>> -> memref<1x80x128xf32, #tpu.memory_space<vmem>>
        %dma_wait3A_253 = tpu.memref_squeeze %dma_wait3A_252 : memref<1x80x128xf32, #tpu.memory_space<vmem>> -> memref<80x128xf32, #tpu.memory_space<vmem>>
        %dma_wait3A_254 = arith.constant 0 : i32
        %dma_wait3A_255 = tpu.memref_slice %arg4[%add3A_248, %dma_wait3A_254] : memref<204800x128xf32, #tpu.memory_space<hbm>> -> memref<80x128xf32, #tpu.memory_space<hbm>>
        %dma_wait3A_256 = tpu.memref_slice %arg10[%dma_wait3A_249] : memref<4x!tpu.dma_semaphore, #tpu.memory_space<semaphore_mem>> -> memref<1x!tpu.dma_semaphore, #tpu.memory_space<semaphore_mem>>
        %dma_wait3A_257 = tpu.memref_squeeze %dma_wait3A_256 : memref<1x!tpu.dma_semaphore, #tpu.memory_space<semaphore_mem>> -> memref<!tpu.dma_semaphore, #tpu.memory_space<semaphore_mem>>
        %dma_wait3A_258 = arith.constant 0 : i32
        %dma_wait3A_259 = tpu.memref_slice %arg4[%add3A_248, %dma_wait3A_258] : memref<204800x128xf32, #tpu.memory_space<hbm>> -> memref<80x128xf32, #tpu.memory_space<hbm>>
        %dma_wait3A_260 = arith.constant 0 : i32
        %dma_wait3A_261 = arith.constant 0 : i32
        %dma_wait3A_262 = tpu.memref_slice %arg7[%cond3A_169, %dma_wait3A_260, %dma_wait3A_261] : memref<4x80x128xf32, #tpu.memory_space<vmem>> -> memref<1x80x128xf32, #tpu.memory_space<vmem>>
        %dma_wait3A_263 = tpu.memref_squeeze %dma_wait3A_262 : memref<1x80x128xf32, #tpu.memory_space<vmem>> -> memref<80x128xf32, #tpu.memory_space<vmem>>
        tpu.wait_dma2 semaphore(%dma_wait3A_257 : memref<!tpu.dma_semaphore, #tpu.memory_space<semaphore_mem>>) src(%dma_wait3A_263 : memref<80x128xf32, #tpu.memory_space<vmem>>) dst(%dma_wait3A_259 : memref<80x128xf32, #tpu.memory_space<hbm>>)
      } else {
      }
      %dma_start3A_172 = arith.constant 1 : i32
      %dma_start3A_173 = arith.constant 1 : i32
      %dma_start3A_174 = arith.constant 0 : i32
      %dma_start3A_175 = arith.constant 0 : i32
      %dma_start3A_176 = tpu.memref_slice %arg7[%dma_start3A_172, %dma_start3A_174, %dma_start3A_175] : memref<4x80x128xf32, #tpu.memory_space<vmem>> -> memref<1x80x128xf32, #tpu.memory_space<vmem>>
      %dma_start3A_177 = tpu.memref_squeeze %dma_start3A_176 : memref<1x80x128xf32, #tpu.memory_space<vmem>> -> memref<80x128xf32, #tpu.memory_space<vmem>>
      %dma_start3A_178 = arith.constant 0 : i32
      %dma_start3A_179 = tpu.memref_slice %arg6[%add3A_165, %dma_start3A_178] : memref<80x80xi32, #tpu.memory_space<vmem>> -> memref<1x80xi32, #tpu.memory_space<vmem>>
      %dma_start3A_180 = tpu.memref_squeeze %dma_start3A_179 : memref<1x80xi32, #tpu.memory_space<vmem>> -> memref<80xi32, #tpu.memory_space<vmem>>
      %dma_start3A_181 = arith.constant 0 : i32
      %dma_start3A_182 = arith.constant 0 : i32
      %dma_start3A_183 = tpu.memref_slice %arg5[%dma_start3A_181, %dma_start3A_182] : memref<90x128xf32, #tpu.memory_space<vmem_shared>> -> memref<90x128xf32, #tpu.memory_space<vmem_shared>>
      %dma_start3A_184 = tpu.memref_slice %arg9[%dma_start3A_173] : memref<4x!tpu.dma_semaphore, #tpu.memory_space<semaphore_mem>> -> memref<1x!tpu.dma_semaphore, #tpu.memory_space<semaphore_mem>>
      %dma_start3A_185 = tpu.memref_squeeze %dma_start3A_184 : memref<1x!tpu.dma_semaphore, #tpu.memory_space<semaphore_mem>> -> memref<!tpu.dma_semaphore, #tpu.memory_space<semaphore_mem>>
      tpu.enqueue_indirect_dma source(%dma_start3A_183 : memref<90x128xf32, #tpu.memory_space<vmem_shared>>) target(%dma_start3A_177 : memref<80x128xf32, #tpu.memory_space<vmem>>) offsets(%dma_start3A_180 : memref<80xi32, #tpu.memory_space<vmem>>) semaphore(%dma_start3A_185 : memref<!tpu.dma_semaphore, #tpu.memory_space<semaphore_mem>>)
      %ge3A_186 = arith.constant 1 : i32
      %ge3A_187 = arith.cmpi sge, %add3A_165, %ge3A_186 : i32
      %convert_element_type3A_188 = arith.extui %ge3A_187 : i1 to i32
      %cond3A_189 = arith.constant 0 : i32
      %cond3A_190 = arith.cmpi ne, %convert_element_type3A_188, %cond3A_189 : i32
      scf.if %cond3A_190 {
        %sub3A = arith.constant 1 : i32
        %sub3A_245 = arith.subi %add3A_165, %sub3A : i32
        %dma_wait3A_246 = arith.constant 0 : i32
        %dma_wait3A_247 = arith.constant 0 : i32
        %dma_wait3A_248 = arith.constant 0 : i32
        %dma_wait3A_249 = arith.constant 0 : i32
        %dma_wait3A_250 = tpu.memref_slice %arg7[%dma_wait3A_246, %dma_wait3A_248, %dma_wait3A_249] : memref<4x80x128xf32, #tpu.memory_space<vmem>> -> memref<1x80x128xf32, #tpu.memory_space<vmem>>
        %dma_wait3A_251 = tpu.memref_squeeze %dma_wait3A_250 : memref<1x80x128xf32, #tpu.memory_space<vmem>> -> memref<80x128xf32, #tpu.memory_space<vmem>>
        %dma_wait3A_252 = arith.constant 0 : i32
        %dma_wait3A_253 = tpu.memref_slice %arg6[%sub3A_245, %dma_wait3A_252] : memref<80x80xi32, #tpu.memory_space<vmem>> -> memref<1x80xi32, #tpu.memory_space<vmem>>
        %dma_wait3A_254 = tpu.memref_squeeze %dma_wait3A_253 : memref<1x80xi32, #tpu.memory_space<vmem>> -> memref<80xi32, #tpu.memory_space<vmem>>
        %dma_wait3A_255 = arith.constant 0 : i32
        %dma_wait3A_256 = arith.constant 0 : i32
        %dma_wait3A_257 = tpu.memref_slice %arg5[%dma_wait3A_255, %dma_wait3A_256] : memref<90x128xf32, #tpu.memory_space<vmem_shared>> -> memref<90x128xf32, #tpu.memory_space<vmem_shared>>
        %dma_wait3A_258 = tpu.memref_slice %arg9[%dma_wait3A_247] : memref<4x!tpu.dma_semaphore, #tpu.memory_space<semaphore_mem>> -> memref<1x!tpu.dma_semaphore, #tpu.memory_space<semaphore_mem>>
        %dma_wait3A_259 = tpu.memref_squeeze %dma_wait3A_258 : memref<1x!tpu.dma_semaphore, #tpu.memory_space<semaphore_mem>> -> memref<!tpu.dma_semaphore, #tpu.memory_space<semaphore_mem>>
        tpu.wait_indirect_dma semaphore(%dma_wait3A_259 : memref<!tpu.dma_semaphore, #tpu.memory_space<semaphore_mem>>) src(%dma_wait3A_257 : memref<90x128xf32, #tpu.memory_space<vmem_shared>>) dst(%dma_wait3A_251 : memref<80x128xf32, #tpu.memory_space<vmem>>)
        %sub3A_260 = arith.constant 1 : i32
        %sub3A_261 = arith.subi %add3A_165, %sub3A_260 : i32
        %mul3A_262 = arith.constant 80 : i32
        %mul3A_263 = arith.muli %sub3A_261, %mul3A_262 : i32
        %add3A_264 = arith.addi %mul3A_2, %mul3A_263 : i32
        %dma_start3A_265 = arith.constant 0 : i32
        %dma_start3A_266 = arith.constant 0 : i32
        %dma_start3A_267 = arith.constant 0 : i32
        %dma_start3A_268 = arith.constant 0 : i32
        %dma_start3A_269 = tpu.memref_slice %arg7[%dma_start3A_265, %dma_start3A_267, %dma_start3A_268] : memref<4x80x128xf32, #tpu.memory_space<vmem>> -> memref<1x80x128xf32, #tpu.memory_space<vmem>>
        %dma_start3A_270 = tpu.memref_squeeze %dma_start3A_269 : memref<1x80x128xf32, #tpu.memory_space<vmem>> -> memref<80x128xf32, #tpu.memory_space<vmem>>
        %dma_start3A_271 = arith.constant 0 : i32
        %dma_start3A_272 = tpu.memref_slice %arg4[%add3A_264, %dma_start3A_271] : memref<204800x128xf32, #tpu.memory_space<hbm>> -> memref<80x128xf32, #tpu.memory_space<hbm>>
        %dma_start3A_273 = tpu.memref_slice %arg10[%dma_start3A_266] : memref<4x!tpu.dma_semaphore, #tpu.memory_space<semaphore_mem>> -> memref<1x!tpu.dma_semaphore, #tpu.memory_space<semaphore_mem>>
        %dma_start3A_274 = tpu.memref_squeeze %dma_start3A_273 : memref<1x!tpu.dma_semaphore, #tpu.memory_space<semaphore_mem>> -> memref<!tpu.dma_semaphore, #tpu.memory_space<semaphore_mem>>
        %dma_start3A_275 = arith.constant 0 : i32
        %dma_start3A_276 = tpu.memref_slice %arg4[%add3A_264, %dma_start3A_275] : memref<204800x128xf32, #tpu.memory_space<hbm>> -> memref<80x128xf32, #tpu.memory_space<hbm>>
        %dma_start3A_277 = arith.constant 0 : i32
        %dma_start3A_278 = arith.constant 0 : i32
        %dma_start3A_279 = tpu.memref_slice %arg7[%dma_start3A_265, %dma_start3A_277, %dma_start3A_278] : memref<4x80x128xf32, #tpu.memory_space<vmem>> -> memref<1x80x128xf32, #tpu.memory_space<vmem>>
        %dma_start3A_280 = tpu.memref_squeeze %dma_start3A_279 : memref<1x80x128xf32, #tpu.memory_space<vmem>> -> memref<80x128xf32, #tpu.memory_space<vmem>>
        tpu.enqueue_dma source(%dma_start3A_280 : memref<80x128xf32, #tpu.memory_space<vmem>>) target(%dma_start3A_276 : memref<80x128xf32, #tpu.memory_space<hbm>>) target_semaphore(%dma_start3A_274 : memref<!tpu.dma_semaphore, #tpu.memory_space<semaphore_mem>>)
      } else {
      }
      %add3A_191 = arith.constant 2 : i32
      %add3A_192 = arith.addi %add3A_137, %add3A_191 : i32
      %ge3A_193 = arith.constant 4 : i32
      %ge3A_194 = arith.cmpi sge, %add3A_192, %ge3A_193 : i32
      %convert_element_type3A_195 = arith.extui %ge3A_194 : i1 to i32
      %cond3A_196 = arith.constant 2 : i32
      %cond3A_197 = arith.constant 0 : i32
      %cond3A_198 = arith.cmpi ne, %convert_element_type3A_195, %cond3A_197 : i32
      scf.if %cond3A_198 {
        %sub3A = arith.constant 4 : i32
        %sub3A_245 = arith.subi %add3A_192, %sub3A : i32
        %mul3A_246 = arith.constant 80 : i32
        %mul3A_247 = arith.muli %sub3A_245, %mul3A_246 : i32
        %add3A_248 = arith.addi %mul3A_2, %mul3A_247 : i32
        %dma_wait3A_249 = arith.constant 2 : i32
        %dma_wait3A_250 = arith.constant 0 : i32
        %dma_wait3A_251 = arith.constant 0 : i32
        %dma_wait3A_252 = tpu.memref_slice %arg7[%cond3A_196, %dma_wait3A_250, %dma_wait3A_251] : memref<4x80x128xf32, #tpu.memory_space<vmem>> -> memref<1x80x128xf32, #tpu.memory_space<vmem>>
        %dma_wait3A_253 = tpu.memref_squeeze %dma_wait3A_252 : memref<1x80x128xf32, #tpu.memory_space<vmem>> -> memref<80x128xf32, #tpu.memory_space<vmem>>
        %dma_wait3A_254 = arith.constant 0 : i32
        %dma_wait3A_255 = tpu.memref_slice %arg4[%add3A_248, %dma_wait3A_254] : memref<204800x128xf32, #tpu.memory_space<hbm>> -> memref<80x128xf32, #tpu.memory_space<hbm>>
        %dma_wait3A_256 = tpu.memref_slice %arg10[%dma_wait3A_249] : memref<4x!tpu.dma_semaphore, #tpu.memory_space<semaphore_mem>> -> memref<1x!tpu.dma_semaphore, #tpu.memory_space<semaphore_mem>>
        %dma_wait3A_257 = tpu.memref_squeeze %dma_wait3A_256 : memref<1x!tpu.dma_semaphore, #tpu.memory_space<semaphore_mem>> -> memref<!tpu.dma_semaphore, #tpu.memory_space<semaphore_mem>>
        %dma_wait3A_258 = arith.constant 0 : i32
        %dma_wait3A_259 = tpu.memref_slice %arg4[%add3A_248, %dma_wait3A_258] : memref<204800x128xf32, #tpu.memory_space<hbm>> -> memref<80x128xf32, #tpu.memory_space<hbm>>
        %dma_wait3A_260 = arith.constant 0 : i32
        %dma_wait3A_261 = arith.constant 0 : i32
        %dma_wait3A_262 = tpu.memref_slice %arg7[%cond3A_196, %dma_wait3A_260, %dma_wait3A_261] : memref<4x80x128xf32, #tpu.memory_space<vmem>> -> memref<1x80x128xf32, #tpu.memory_space<vmem>>
        %dma_wait3A_263 = tpu.memref_squeeze %dma_wait3A_262 : memref<1x80x128xf32, #tpu.memory_space<vmem>> -> memref<80x128xf32, #tpu.memory_space<vmem>>
        tpu.wait_dma2 semaphore(%dma_wait3A_257 : memref<!tpu.dma_semaphore, #tpu.memory_space<semaphore_mem>>) src(%dma_wait3A_263 : memref<80x128xf32, #tpu.memory_space<vmem>>) dst(%dma_wait3A_259 : memref<80x128xf32, #tpu.memory_space<hbm>>)
      } else {
      }
      %dma_start3A_199 = arith.constant 2 : i32
      %dma_start3A_200 = arith.constant 2 : i32
      %dma_start3A_201 = arith.constant 0 : i32
      %dma_start3A_202 = arith.constant 0 : i32
      %dma_start3A_203 = tpu.memref_slice %arg7[%dma_start3A_199, %dma_start3A_201, %dma_start3A_202] : memref<4x80x128xf32, #tpu.memory_space<vmem>> -> memref<1x80x128xf32, #tpu.memory_space<vmem>>
      %dma_start3A_204 = tpu.memref_squeeze %dma_start3A_203 : memref<1x80x128xf32, #tpu.memory_space<vmem>> -> memref<80x128xf32, #tpu.memory_space<vmem>>
      %dma_start3A_205 = arith.constant 0 : i32
      %dma_start3A_206 = tpu.memref_slice %arg6[%add3A_192, %dma_start3A_205] : memref<80x80xi32, #tpu.memory_space<vmem>> -> memref<1x80xi32, #tpu.memory_space<vmem>>
      %dma_start3A_207 = tpu.memref_squeeze %dma_start3A_206 : memref<1x80xi32, #tpu.memory_space<vmem>> -> memref<80xi32, #tpu.memory_space<vmem>>
      %dma_start3A_208 = arith.constant 0 : i32
      %dma_start3A_209 = arith.constant 0 : i32
      %dma_start3A_210 = tpu.memref_slice %arg5[%dma_start3A_208, %dma_start3A_209] : memref<90x128xf32, #tpu.memory_space<vmem_shared>> -> memref<90x128xf32, #tpu.memory_space<vmem_shared>>
      %dma_start3A_211 = tpu.memref_slice %arg9[%dma_start3A_200] : memref<4x!tpu.dma_semaphore, #tpu.memory_space<semaphore_mem>> -> memref<1x!tpu.dma_semaphore, #tpu.memory_space<semaphore_mem>>
      %dma_start3A_212 = tpu.memref_squeeze %dma_start3A_211 : memref<1x!tpu.dma_semaphore, #tpu.memory_space<semaphore_mem>> -> memref<!tpu.dma_semaphore, #tpu.memory_space<semaphore_mem>>
      tpu.enqueue_indirect_dma source(%dma_start3A_210 : memref<90x128xf32, #tpu.memory_space<vmem_shared>>) target(%dma_start3A_204 : memref<80x128xf32, #tpu.memory_space<vmem>>) offsets(%dma_start3A_207 : memref<80xi32, #tpu.memory_space<vmem>>) semaphore(%dma_start3A_212 : memref<!tpu.dma_semaphore, #tpu.memory_space<semaphore_mem>>)
      %ge3A_213 = arith.constant 1 : i32
      %ge3A_214 = arith.cmpi sge, %add3A_192, %ge3A_213 : i32
      %convert_element_type3A_215 = arith.extui %ge3A_214 : i1 to i32
      %cond3A_216 = arith.constant 0 : i32
      %cond3A_217 = arith.cmpi ne, %convert_element_type3A_215, %cond3A_216 : i32
      scf.if %cond3A_217 {
        %sub3A = arith.constant 1 : i32
        %sub3A_245 = arith.subi %add3A_192, %sub3A : i32
        %dma_wait3A_246 = arith.constant 1 : i32
        %dma_wait3A_247 = arith.constant 1 : i32
        %dma_wait3A_248 = arith.constant 0 : i32
        %dma_wait3A_249 = arith.constant 0 : i32
        %dma_wait3A_250 = tpu.memref_slice %arg7[%dma_wait3A_246, %dma_wait3A_248, %dma_wait3A_249] : memref<4x80x128xf32, #tpu.memory_space<vmem>> -> memref<1x80x128xf32, #tpu.memory_space<vmem>>
        %dma_wait3A_251 = tpu.memref_squeeze %dma_wait3A_250 : memref<1x80x128xf32, #tpu.memory_space<vmem>> -> memref<80x128xf32, #tpu.memory_space<vmem>>
        %dma_wait3A_252 = arith.constant 0 : i32
        %dma_wait3A_253 = tpu.memref_slice %arg6[%sub3A_245, %dma_wait3A_252] : memref<80x80xi32, #tpu.memory_space<vmem>> -> memref<1x80xi32, #tpu.memory_space<vmem>>
        %dma_wait3A_254 = tpu.memref_squeeze %dma_wait3A_253 : memref<1x80xi32, #tpu.memory_space<vmem>> -> memref<80xi32, #tpu.memory_space<vmem>>
        %dma_wait3A_255 = arith.constant 0 : i32
        %dma_wait3A_256 = arith.constant 0 : i32
        %dma_wait3A_257 = tpu.memref_slice %arg5[%dma_wait3A_255, %dma_wait3A_256] : memref<90x128xf32, #tpu.memory_space<vmem_shared>> -> memref<90x128xf32, #tpu.memory_space<vmem_shared>>
        %dma_wait3A_258 = tpu.memref_slice %arg9[%dma_wait3A_247] : memref<4x!tpu.dma_semaphore, #tpu.memory_space<semaphore_mem>> -> memref<1x!tpu.dma_semaphore, #tpu.memory_space<semaphore_mem>>
        %dma_wait3A_259 = tpu.memref_squeeze %dma_wait3A_258 : memref<1x!tpu.dma_semaphore, #tpu.memory_space<semaphore_mem>> -> memref<!tpu.dma_semaphore, #tpu.memory_space<semaphore_mem>>
        tpu.wait_indirect_dma semaphore(%dma_wait3A_259 : memref<!tpu.dma_semaphore, #tpu.memory_space<semaphore_mem>>) src(%dma_wait3A_257 : memref<90x128xf32, #tpu.memory_space<vmem_shared>>) dst(%dma_wait3A_251 : memref<80x128xf32, #tpu.memory_space<vmem>>)
        %sub3A_260 = arith.constant 1 : i32
        %sub3A_261 = arith.subi %add3A_192, %sub3A_260 : i32
        %mul3A_262 = arith.constant 80 : i32
        %mul3A_263 = arith.muli %sub3A_261, %mul3A_262 : i32
        %add3A_264 = arith.addi %mul3A_2, %mul3A_263 : i32
        %dma_start3A_265 = arith.constant 1 : i32
        %dma_start3A_266 = arith.constant 1 : i32
        %dma_start3A_267 = arith.constant 0 : i32
        %dma_start3A_268 = arith.constant 0 : i32
        %dma_start3A_269 = tpu.memref_slice %arg7[%dma_start3A_265, %dma_start3A_267, %dma_start3A_268] : memref<4x80x128xf32, #tpu.memory_space<vmem>> -> memref<1x80x128xf32, #tpu.memory_space<vmem>>
        %dma_start3A_270 = tpu.memref_squeeze %dma_start3A_269 : memref<1x80x128xf32, #tpu.memory_space<vmem>> -> memref<80x128xf32, #tpu.memory_space<vmem>>
        %dma_start3A_271 = arith.constant 0 : i32
        %dma_start3A_272 = tpu.memref_slice %arg4[%add3A_264, %dma_start3A_271] : memref<204800x128xf32, #tpu.memory_space<hbm>> -> memref<80x128xf32, #tpu.memory_space<hbm>>
        %dma_start3A_273 = tpu.memref_slice %arg10[%dma_start3A_266] : memref<4x!tpu.dma_semaphore, #tpu.memory_space<semaphore_mem>> -> memref<1x!tpu.dma_semaphore, #tpu.memory_space<semaphore_mem>>
        %dma_start3A_274 = tpu.memref_squeeze %dma_start3A_273 : memref<1x!tpu.dma_semaphore, #tpu.memory_space<semaphore_mem>> -> memref<!tpu.dma_semaphore, #tpu.memory_space<semaphore_mem>>
        %dma_start3A_275 = arith.constant 0 : i32
        %dma_start3A_276 = tpu.memref_slice %arg4[%add3A_264, %dma_start3A_275] : memref<204800x128xf32, #tpu.memory_space<hbm>> -> memref<80x128xf32, #tpu.memory_space<hbm>>
        %dma_start3A_277 = arith.constant 0 : i32
        %dma_start3A_278 = arith.constant 0 : i32
        %dma_start3A_279 = tpu.memref_slice %arg7[%dma_start3A_265, %dma_start3A_277, %dma_start3A_278] : memref<4x80x128xf32, #tpu.memory_space<vmem>> -> memref<1x80x128xf32, #tpu.memory_space<vmem>>
        %dma_start3A_280 = tpu.memref_squeeze %dma_start3A_279 : memref<1x80x128xf32, #tpu.memory_space<vmem>> -> memref<80x128xf32, #tpu.memory_space<vmem>>
        tpu.enqueue_dma source(%dma_start3A_280 : memref<80x128xf32, #tpu.memory_space<vmem>>) target(%dma_start3A_276 : memref<80x128xf32, #tpu.memory_space<hbm>>) target_semaphore(%dma_start3A_274 : memref<!tpu.dma_semaphore, #tpu.memory_space<semaphore_mem>>)
      } else {
      }
      %add3A_218 = arith.constant 3 : i32
      %add3A_219 = arith.addi %add3A_137, %add3A_218 : i32
      %ge3A_220 = arith.constant 4 : i32
      %ge3A_221 = arith.cmpi sge, %add3A_219, %ge3A_220 : i32
      %convert_element_type3A_222 = arith.extui %ge3A_221 : i1 to i32
      %cond3A_223 = arith.constant 3 : i32
      %cond3A_224 = arith.constant 0 : i32
      %cond3A_225 = arith.cmpi ne, %convert_element_type3A_222, %cond3A_224 : i32
      scf.if %cond3A_225 {
        %sub3A = arith.constant 4 : i32
        %sub3A_245 = arith.subi %add3A_219, %sub3A : i32
        %mul3A_246 = arith.constant 80 : i32
        %mul3A_247 = arith.muli %sub3A_245, %mul3A_246 : i32
        %add3A_248 = arith.addi %mul3A_2, %mul3A_247 : i32
        %dma_wait3A_249 = arith.constant 3 : i32
        %dma_wait3A_250 = arith.constant 0 : i32
        %dma_wait3A_251 = arith.constant 0 : i32
        %dma_wait3A_252 = tpu.memref_slice %arg7[%cond3A_223, %dma_wait3A_250, %dma_wait3A_251] : memref<4x80x128xf32, #tpu.memory_space<vmem>> -> memref<1x80x128xf32, #tpu.memory_space<vmem>>
        %dma_wait3A_253 = tpu.memref_squeeze %dma_wait3A_252 : memref<1x80x128xf32, #tpu.memory_space<vmem>> -> memref<80x128xf32, #tpu.memory_space<vmem>>
        %dma_wait3A_254 = arith.constant 0 : i32
        %dma_wait3A_255 = tpu.memref_slice %arg4[%add3A_248, %dma_wait3A_254] : memref<204800x128xf32, #tpu.memory_space<hbm>> -> memref<80x128xf32, #tpu.memory_space<hbm>>
        %dma_wait3A_256 = tpu.memref_slice %arg10[%dma_wait3A_249] : memref<4x!tpu.dma_semaphore, #tpu.memory_space<semaphore_mem>> -> memref<1x!tpu.dma_semaphore, #tpu.memory_space<semaphore_mem>>
        %dma_wait3A_257 = tpu.memref_squeeze %dma_wait3A_256 : memref<1x!tpu.dma_semaphore, #tpu.memory_space<semaphore_mem>> -> memref<!tpu.dma_semaphore, #tpu.memory_space<semaphore_mem>>
        %dma_wait3A_258 = arith.constant 0 : i32
        %dma_wait3A_259 = tpu.memref_slice %arg4[%add3A_248, %dma_wait3A_258] : memref<204800x128xf32, #tpu.memory_space<hbm>> -> memref<80x128xf32, #tpu.memory_space<hbm>>
        %dma_wait3A_260 = arith.constant 0 : i32
        %dma_wait3A_261 = arith.constant 0 : i32
        %dma_wait3A_262 = tpu.memref_slice %arg7[%cond3A_223, %dma_wait3A_260, %dma_wait3A_261] : memref<4x80x128xf32, #tpu.memory_space<vmem>> -> memref<1x80x128xf32, #tpu.memory_space<vmem>>
        %dma_wait3A_263 = tpu.memref_squeeze %dma_wait3A_262 : memref<1x80x128xf32, #tpu.memory_space<vmem>> -> memref<80x128xf32, #tpu.memory_space<vmem>>
        tpu.wait_dma2 semaphore(%dma_wait3A_257 : memref<!tpu.dma_semaphore, #tpu.memory_space<semaphore_mem>>) src(%dma_wait3A_263 : memref<80x128xf32, #tpu.memory_space<vmem>>) dst(%dma_wait3A_259 : memref<80x128xf32, #tpu.memory_space<hbm>>)
      } else {
      }
      %dma_start3A_226 = arith.constant 3 : i32
      %dma_start3A_227 = arith.constant 3 : i32
      %dma_start3A_228 = arith.constant 0 : i32
      %dma_start3A_229 = arith.constant 0 : i32
      %dma_start3A_230 = tpu.memref_slice %arg7[%dma_start3A_226, %dma_start3A_228, %dma_start3A_229] : memref<4x80x128xf32, #tpu.memory_space<vmem>> -> memref<1x80x128xf32, #tpu.memory_space<vmem>>
      %dma_start3A_231 = tpu.memref_squeeze %dma_start3A_230 : memref<1x80x128xf32, #tpu.memory_space<vmem>> -> memref<80x128xf32, #tpu.memory_space<vmem>>
      %dma_start3A_232 = arith.constant 0 : i32
      %dma_start3A_233 = tpu.memref_slice %arg6[%add3A_219, %dma_start3A_232] : memref<80x80xi32, #tpu.memory_space<vmem>> -> memref<1x80xi32, #tpu.memory_space<vmem>>
      %dma_start3A_234 = tpu.memref_squeeze %dma_start3A_233 : memref<1x80xi32, #tpu.memory_space<vmem>> -> memref<80xi32, #tpu.memory_space<vmem>>
      %dma_start3A_235 = arith.constant 0 : i32
      %dma_start3A_236 = arith.constant 0 : i32
      %dma_start3A_237 = tpu.memref_slice %arg5[%dma_start3A_235, %dma_start3A_236] : memref<90x128xf32, #tpu.memory_space<vmem_shared>> -> memref<90x128xf32, #tpu.memory_space<vmem_shared>>
      %dma_start3A_238 = tpu.memref_slice %arg9[%dma_start3A_227] : memref<4x!tpu.dma_semaphore, #tpu.memory_space<semaphore_mem>> -> memref<1x!tpu.dma_semaphore, #tpu.memory_space<semaphore_mem>>
      %dma_start3A_239 = tpu.memref_squeeze %dma_start3A_238 : memref<1x!tpu.dma_semaphore, #tpu.memory_space<semaphore_mem>> -> memref<!tpu.dma_semaphore, #tpu.memory_space<semaphore_mem>>
      tpu.enqueue_indirect_dma source(%dma_start3A_237 : memref<90x128xf32, #tpu.memory_space<vmem_shared>>) target(%dma_start3A_231 : memref<80x128xf32, #tpu.memory_space<vmem>>) offsets(%dma_start3A_234 : memref<80xi32, #tpu.memory_space<vmem>>) semaphore(%dma_start3A_239 : memref<!tpu.dma_semaphore, #tpu.memory_space<semaphore_mem>>)
      %ge3A_240 = arith.constant 1 : i32
      %ge3A_241 = arith.cmpi sge, %add3A_219, %ge3A_240 : i32
      %convert_element_type3A_242 = arith.extui %ge3A_241 : i1 to i32
      %cond3A_243 = arith.constant 0 : i32
      %cond3A_244 = arith.cmpi ne, %convert_element_type3A_242, %cond3A_243 : i32
      scf.if %cond3A_244 {
        %sub3A = arith.constant 1 : i32
        %sub3A_245 = arith.subi %add3A_219, %sub3A : i32
        %dma_wait3A_246 = arith.constant 2 : i32
        %dma_wait3A_247 = arith.constant 2 : i32
        %dma_wait3A_248 = arith.constant 0 : i32
        %dma_wait3A_249 = arith.constant 0 : i32
        %dma_wait3A_250 = tpu.memref_slice %arg7[%dma_wait3A_246, %dma_wait3A_248, %dma_wait3A_249] : memref<4x80x128xf32, #tpu.memory_space<vmem>> -> memref<1x80x128xf32, #tpu.memory_space<vmem>>
        %dma_wait3A_251 = tpu.memref_squeeze %dma_wait3A_250 : memref<1x80x128xf32, #tpu.memory_space<vmem>> -> memref<80x128xf32, #tpu.memory_space<vmem>>
        %dma_wait3A_252 = arith.constant 0 : i32
        %dma_wait3A_253 = tpu.memref_slice %arg6[%sub3A_245, %dma_wait3A_252] : memref<80x80xi32, #tpu.memory_space<vmem>> -> memref<1x80xi32, #tpu.memory_space<vmem>>
        %dma_wait3A_254 = tpu.memref_squeeze %dma_wait3A_253 : memref<1x80xi32, #tpu.memory_space<vmem>> -> memref<80xi32, #tpu.memory_space<vmem>>
        %dma_wait3A_255 = arith.constant 0 : i32
        %dma_wait3A_256 = arith.constant 0 : i32
        %dma_wait3A_257 = tpu.memref_slice %arg5[%dma_wait3A_255, %dma_wait3A_256] : memref<90x128xf32, #tpu.memory_space<vmem_shared>> -> memref<90x128xf32, #tpu.memory_space<vmem_shared>>
        %dma_wait3A_258 = tpu.memref_slice %arg9[%dma_wait3A_247] : memref<4x!tpu.dma_semaphore, #tpu.memory_space<semaphore_mem>> -> memref<1x!tpu.dma_semaphore, #tpu.memory_space<semaphore_mem>>
        %dma_wait3A_259 = tpu.memref_squeeze %dma_wait3A_258 : memref<1x!tpu.dma_semaphore, #tpu.memory_space<semaphore_mem>> -> memref<!tpu.dma_semaphore, #tpu.memory_space<semaphore_mem>>
        tpu.wait_indirect_dma semaphore(%dma_wait3A_259 : memref<!tpu.dma_semaphore, #tpu.memory_space<semaphore_mem>>) src(%dma_wait3A_257 : memref<90x128xf32, #tpu.memory_space<vmem_shared>>) dst(%dma_wait3A_251 : memref<80x128xf32, #tpu.memory_space<vmem>>)
        %sub3A_260 = arith.constant 1 : i32
        %sub3A_261 = arith.subi %add3A_219, %sub3A_260 : i32
        %mul3A_262 = arith.constant 80 : i32
        %mul3A_263 = arith.muli %sub3A_261, %mul3A_262 : i32
        %add3A_264 = arith.addi %mul3A_2, %mul3A_263 : i32
        %dma_start3A_265 = arith.constant 2 : i32
        %dma_start3A_266 = arith.constant 2 : i32
        %dma_start3A_267 = arith.constant 0 : i32
        %dma_start3A_268 = arith.constant 0 : i32
        %dma_start3A_269 = tpu.memref_slice %arg7[%dma_start3A_265, %dma_start3A_267, %dma_start3A_268] : memref<4x80x128xf32, #tpu.memory_space<vmem>> -> memref<1x80x128xf32, #tpu.memory_space<vmem>>
        %dma_start3A_270 = tpu.memref_squeeze %dma_start3A_269 : memref<1x80x128xf32, #tpu.memory_space<vmem>> -> memref<80x128xf32, #tpu.memory_space<vmem>>
        %dma_start3A_271 = arith.constant 0 : i32
        %dma_start3A_272 = tpu.memref_slice %arg4[%add3A_264, %dma_start3A_271] : memref<204800x128xf32, #tpu.memory_space<hbm>> -> memref<80x128xf32, #tpu.memory_space<hbm>>
        %dma_start3A_273 = tpu.memref_slice %arg10[%dma_start3A_266] : memref<4x!tpu.dma_semaphore, #tpu.memory_space<semaphore_mem>> -> memref<1x!tpu.dma_semaphore, #tpu.memory_space<semaphore_mem>>
        %dma_start3A_274 = tpu.memref_squeeze %dma_start3A_273 : memref<1x!tpu.dma_semaphore, #tpu.memory_space<semaphore_mem>> -> memref<!tpu.dma_semaphore, #tpu.memory_space<semaphore_mem>>
        %dma_start3A_275 = arith.constant 0 : i32
        %dma_start3A_276 = tpu.memref_slice %arg4[%add3A_264, %dma_start3A_275] : memref<204800x128xf32, #tpu.memory_space<hbm>> -> memref<80x128xf32, #tpu.memory_space<hbm>>
        %dma_start3A_277 = arith.constant 0 : i32
        %dma_start3A_278 = arith.constant 0 : i32
        %dma_start3A_279 = tpu.memref_slice %arg7[%dma_start3A_265, %dma_start3A_277, %dma_start3A_278] : memref<4x80x128xf32, #tpu.memory_space<vmem>> -> memref<1x80x128xf32, #tpu.memory_space<vmem>>
        %dma_start3A_280 = tpu.memref_squeeze %dma_start3A_279 : memref<1x80x128xf32, #tpu.memory_space<vmem>> -> memref<80x128xf32, #tpu.memory_space<vmem>>
        tpu.enqueue_dma source(%dma_start3A_280 : memref<80x128xf32, #tpu.memory_space<vmem>>) target(%dma_start3A_276 : memref<80x128xf32, #tpu.memory_space<hbm>>) target_semaphore(%dma_start3A_274 : memref<!tpu.dma_semaphore, #tpu.memory_space<semaphore_mem>>)
      } else {
      }
    }
    %scan3A_27 = arith.constant 20 : i32
    %dma_wait3A_28 = arith.constant 79 : i32
    %dma_wait3A_29 = arith.constant 3 : i32
    %dma_wait3A_30 = arith.constant 3 : i32
    %dma_wait3A_31 = arith.constant 0 : i32
    %dma_wait3A_32 = arith.constant 0 : i32
    %dma_wait3A_33 = tpu.memref_slice %arg7[%dma_wait3A_29, %dma_wait3A_31, %dma_wait3A_32] : memref<4x80x128xf32, #tpu.memory_space<vmem>> -> memref<1x80x128xf32, #tpu.memory_space<vmem>>
    %dma_wait3A_34 = tpu.memref_squeeze %dma_wait3A_33 : memref<1x80x128xf32, #tpu.memory_space<vmem>> -> memref<80x128xf32, #tpu.memory_space<vmem>>
    %dma_wait3A_35 = arith.constant 0 : i32
    %dma_wait3A_36 = tpu.memref_slice %arg6[%dma_wait3A_28, %dma_wait3A_35] : memref<80x80xi32, #tpu.memory_space<vmem>> -> memref<1x80xi32, #tpu.memory_space<vmem>>
    %dma_wait3A_37 = tpu.memref_squeeze %dma_wait3A_36 : memref<1x80xi32, #tpu.memory_space<vmem>> -> memref<80xi32, #tpu.memory_space<vmem>>
    %dma_wait3A_38 = arith.constant 0 : i32
    %dma_wait3A_39 = arith.constant 0 : i32
    %dma_wait3A_40 = tpu.memref_slice %arg5[%dma_wait3A_38, %dma_wait3A_39] : memref<90x128xf32, #tpu.memory_space<vmem_shared>> -> memref<90x128xf32, #tpu.memory_space<vmem_shared>>
    %dma_wait3A_41 = tpu.memref_slice %arg9[%dma_wait3A_30] : memref<4x!tpu.dma_semaphore, #tpu.memory_space<semaphore_mem>> -> memref<1x!tpu.dma_semaphore, #tpu.memory_space<semaphore_mem>>
    %dma_wait3A_42 = tpu.memref_squeeze %dma_wait3A_41 : memref<1x!tpu.dma_semaphore, #tpu.memory_space<semaphore_mem>> -> memref<!tpu.dma_semaphore, #tpu.memory_space<semaphore_mem>>
    tpu.wait_indirect_dma semaphore(%dma_wait3A_42 : memref<!tpu.dma_semaphore, #tpu.memory_space<semaphore_mem>>) src(%dma_wait3A_40 : memref<90x128xf32, #tpu.memory_space<vmem_shared>>) dst(%dma_wait3A_34 : memref<80x128xf32, #tpu.memory_space<vmem>>)
    %add3A_43 = arith.constant 6320 : i32
    %add3A_44 = arith.addi %mul3A_2, %add3A_43 : i32
    %dma_start3A_45 = arith.constant 3 : i32
    %dma_start3A_46 = arith.constant 3 : i32
    %dma_start3A_47 = arith.constant 0 : i32
    %dma_start3A_48 = arith.constant 0 : i32
    %dma_start3A_49 = tpu.memref_slice %arg7[%dma_start3A_45, %dma_start3A_47, %dma_start3A_48] : memref<4x80x128xf32, #tpu.memory_space<vmem>> -> memref<1x80x128xf32, #tpu.memory_space<vmem>>
    %dma_start3A_50 = tpu.memref_squeeze %dma_start3A_49 : memref<1x80x128xf32, #tpu.memory_space<vmem>> -> memref<80x128xf32, #tpu.memory_space<vmem>>
    %dma_start3A_51 = arith.constant 0 : i32
    %dma_start3A_52 = tpu.memref_slice %arg4[%add3A_44, %dma_start3A_51] : memref<204800x128xf32, #tpu.memory_space<hbm>> -> memref<80x128xf32, #tpu.memory_space<hbm>>
    %dma_start3A_53 = tpu.memref_slice %arg10[%dma_start3A_46] : memref<4x!tpu.dma_semaphore, #tpu.memory_space<semaphore_mem>> -> memref<1x!tpu.dma_semaphore, #tpu.memory_space<semaphore_mem>>
    %dma_start3A_54 = tpu.memref_squeeze %dma_start3A_53 : memref<1x!tpu.dma_semaphore, #tpu.memory_space<semaphore_mem>> -> memref<!tpu.dma_semaphore, #tpu.memory_space<semaphore_mem>>
    %dma_start3A_55 = arith.constant 0 : i32
    %dma_start3A_56 = tpu.memref_slice %arg4[%add3A_44, %dma_start3A_55] : memref<204800x128xf32, #tpu.memory_space<hbm>> -> memref<80x128xf32, #tpu.memory_space<hbm>>
    %dma_start3A_57 = arith.constant 0 : i32
    %dma_start3A_58 = arith.constant 0 : i32
    %dma_start3A_59 = tpu.memref_slice %arg7[%dma_start3A_45, %dma_start3A_57, %dma_start3A_58] : memref<4x80x128xf32, #tpu.memory_space<vmem>> -> memref<1x80x128xf32, #tpu.memory_space<vmem>>
    %dma_start3A_60 = tpu.memref_squeeze %dma_start3A_59 : memref<1x80x128xf32, #tpu.memory_space<vmem>> -> memref<80x128xf32, #tpu.memory_space<vmem>>
    tpu.enqueue_dma source(%dma_start3A_60 : memref<80x128xf32, #tpu.memory_space<vmem>>) target(%dma_start3A_56 : memref<80x128xf32, #tpu.memory_space<hbm>>) target_semaphore(%dma_start3A_54 : memref<!tpu.dma_semaphore, #tpu.memory_space<semaphore_mem>>)
    %add3A_61 = arith.constant 6080 : i32
    %add3A_62 = arith.addi %mul3A_2, %add3A_61 : i32
    %dma_wait3A_63 = arith.constant 0 : i32
    %dma_wait3A_64 = arith.constant 0 : i32
    %dma_wait3A_65 = arith.constant 0 : i32
    %dma_wait3A_66 = arith.constant 0 : i32
    %dma_wait3A_67 = tpu.memref_slice %arg7[%dma_wait3A_63, %dma_wait3A_65, %dma_wait3A_66] : memref<4x80x128xf32, #tpu.memory_space<vmem>> -> memref<1x80x128xf32, #tpu.memory_space<vmem>>
    %dma_wait3A_68 = tpu.memref_squeeze %dma_wait3A_67 : memref<1x80x128xf32, #tpu.memory_space<vmem>> -> memref<80x128xf32, #tpu.memory_space<vmem>>
    %dma_wait3A_69 = arith.constant 0 : i32
    %dma_wait3A_70 = tpu.memref_slice %arg4[%add3A_62, %dma_wait3A_69] : memref<204800x128xf32, #tpu.memory_space<hbm>> -> memref<80x128xf32, #tpu.memory_space<hbm>>
    %dma_wait3A_71 = tpu.memref_slice %arg10[%dma_wait3A_64] : memref<4x!tpu.dma_semaphore, #tpu.memory_space<semaphore_mem>> -> memref<1x!tpu.dma_semaphore, #tpu.memory_space<semaphore_mem>>
    %dma_wait3A_72 = tpu.memref_squeeze %dma_wait3A_71 : memref<1x!tpu.dma_semaphore, #tpu.memory_space<semaphore_mem>> -> memref<!tpu.dma_semaphore, #tpu.memory_space<semaphore_mem>>
    %dma_wait3A_73 = arith.constant 0 : i32
    %dma_wait3A_74 = tpu.memref_slice %arg4[%add3A_62, %dma_wait3A_73] : memref<204800x128xf32, #tpu.memory_space<hbm>> -> memref<80x128xf32, #tpu.memory_space<hbm>>
    %dma_wait3A_75 = arith.constant 0 : i32
    %dma_wait3A_76 = arith.constant 0 : i32
    %dma_wait3A_77 = tpu.memref_slice %arg7[%dma_wait3A_63, %dma_wait3A_75, %dma_wait3A_76] : memref<4x80x128xf32, #tpu.memory_space<vmem>> -> memref<1x80x128xf32, #tpu.memory_space<vmem>>
    %dma_wait3A_78 = tpu.memref_squeeze %dma_wait3A_77 : memref<1x80x128xf32, #tpu.memory_space<vmem>> -> memref<80x128xf32, #tpu.memory_space<vmem>>
    tpu.wait_dma2 semaphore(%dma_wait3A_72 : memref<!tpu.dma_semaphore, #tpu.memory_space<semaphore_mem>>) src(%dma_wait3A_78 : memref<80x128xf32, #tpu.memory_space<vmem>>) dst(%dma_wait3A_74 : memref<80x128xf32, #tpu.memory_space<hbm>>)
    %add3A_79 = arith.constant 6160 : i32
    %add3A_80 = arith.addi %mul3A_2, %add3A_79 : i32
    %dma_wait3A_81 = arith.constant 1 : i32
    %dma_wait3A_82 = arith.constant 1 : i32
    %dma_wait3A_83 = arith.constant 0 : i32
    %dma_wait3A_84 = arith.constant 0 : i32
    %dma_wait3A_85 = tpu.memref_slice %arg7[%dma_wait3A_81, %dma_wait3A_83, %dma_wait3A_84] : memref<4x80x128xf32, #tpu.memory_space<vmem>> -> memref<1x80x128xf32, #tpu.memory_space<vmem>>
    %dma_wait3A_86 = tpu.memref_squeeze %dma_wait3A_85 : memref<1x80x128xf32, #tpu.memory_space<vmem>> -> memref<80x128xf32, #tpu.memory_space<vmem>>
    %dma_wait3A_87 = arith.constant 0 : i32
    %dma_wait3A_88 = tpu.memref_slice %arg4[%add3A_80, %dma_wait3A_87] : memref<204800x128xf32, #tpu.memory_space<hbm>> -> memref<80x128xf32, #tpu.memory_space<hbm>>
    %dma_wait3A_89 = tpu.memref_slice %arg10[%dma_wait3A_82] : memref<4x!tpu.dma_semaphore, #tpu.memory_space<semaphore_mem>> -> memref<1x!tpu.dma_semaphore, #tpu.memory_space<semaphore_mem>>
    %dma_wait3A_90 = tpu.memref_squeeze %dma_wait3A_89 : memref<1x!tpu.dma_semaphore, #tpu.memory_space<semaphore_mem>> -> memref<!tpu.dma_semaphore, #tpu.memory_space<semaphore_mem>>
    %dma_wait3A_91 = arith.constant 0 : i32
    %dma_wait3A_92 = tpu.memref_slice %arg4[%add3A_80, %dma_wait3A_91] : memref<204800x128xf32, #tpu.memory_space<hbm>> -> memref<80x128xf32, #tpu.memory_space<hbm>>
    %dma_wait3A_93 = arith.constant 0 : i32
    %dma_wait3A_94 = arith.constant 0 : i32
    %dma_wait3A_95 = tpu.memref_slice %arg7[%dma_wait3A_81, %dma_wait3A_93, %dma_wait3A_94] : memref<4x80x128xf32, #tpu.memory_space<vmem>> -> memref<1x80x128xf32, #tpu.memory_space<vmem>>
    %dma_wait3A_96 = tpu.memref_squeeze %dma_wait3A_95 : memref<1x80x128xf32, #tpu.memory_space<vmem>> -> memref<80x128xf32, #tpu.memory_space<vmem>>
    tpu.wait_dma2 semaphore(%dma_wait3A_90 : memref<!tpu.dma_semaphore, #tpu.memory_space<semaphore_mem>>) src(%dma_wait3A_96 : memref<80x128xf32, #tpu.memory_space<vmem>>) dst(%dma_wait3A_92 : memref<80x128xf32, #tpu.memory_space<hbm>>)
    %add3A_97 = arith.constant 6240 : i32
    %add3A_98 = arith.addi %mul3A_2, %add3A_97 : i32
    %dma_wait3A_99 = arith.constant 2 : i32
    %dma_wait3A_100 = arith.constant 2 : i32
    %dma_wait3A_101 = arith.constant 0 : i32
    %dma_wait3A_102 = arith.constant 0 : i32
    %dma_wait3A_103 = tpu.memref_slice %arg7[%dma_wait3A_99, %dma_wait3A_101, %dma_wait3A_102] : memref<4x80x128xf32, #tpu.memory_space<vmem>> -> memref<1x80x128xf32, #tpu.memory_space<vmem>>
    %dma_wait3A_104 = tpu.memref_squeeze %dma_wait3A_103 : memref<1x80x128xf32, #tpu.memory_space<vmem>> -> memref<80x128xf32, #tpu.memory_space<vmem>>
    %dma_wait3A_105 = arith.constant 0 : i32
    %dma_wait3A_106 = tpu.memref_slice %arg4[%add3A_98, %dma_wait3A_105] : memref<204800x128xf32, #tpu.memory_space<hbm>> -> memref<80x128xf32, #tpu.memory_space<hbm>>
    %dma_wait3A_107 = tpu.memref_slice %arg10[%dma_wait3A_100] : memref<4x!tpu.dma_semaphore, #tpu.memory_space<semaphore_mem>> -> memref<1x!tpu.dma_semaphore, #tpu.memory_space<semaphore_mem>>
    %dma_wait3A_108 = tpu.memref_squeeze %dma_wait3A_107 : memref<1x!tpu.dma_semaphore, #tpu.memory_space<semaphore_mem>> -> memref<!tpu.dma_semaphore, #tpu.memory_space<semaphore_mem>>
    %dma_wait3A_109 = arith.constant 0 : i32
    %dma_wait3A_110 = tpu.memref_slice %arg4[%add3A_98, %dma_wait3A_109] : memref<204800x128xf32, #tpu.memory_space<hbm>> -> memref<80x128xf32, #tpu.memory_space<hbm>>
    %dma_wait3A_111 = arith.constant 0 : i32
    %dma_wait3A_112 = arith.constant 0 : i32
    %dma_wait3A_113 = tpu.memref_slice %arg7[%dma_wait3A_99, %dma_wait3A_111, %dma_wait3A_112] : memref<4x80x128xf32, #tpu.memory_space<vmem>> -> memref<1x80x128xf32, #tpu.memory_space<vmem>>
    %dma_wait3A_114 = tpu.memref_squeeze %dma_wait3A_113 : memref<1x80x128xf32, #tpu.memory_space<vmem>> -> memref<80x128xf32, #tpu.memory_space<vmem>>
    tpu.wait_dma2 semaphore(%dma_wait3A_108 : memref<!tpu.dma_semaphore, #tpu.memory_space<semaphore_mem>>) src(%dma_wait3A_114 : memref<80x128xf32, #tpu.memory_space<vmem>>) dst(%dma_wait3A_110 : memref<80x128xf32, #tpu.memory_space<hbm>>)
    %add3A_115 = arith.constant 6320 : i32
    %add3A_116 = arith.addi %mul3A_2, %add3A_115 : i32
    %dma_wait3A_117 = arith.constant 3 : i32
    %dma_wait3A_118 = arith.constant 3 : i32
    %dma_wait3A_119 = arith.constant 0 : i32
    %dma_wait3A_120 = arith.constant 0 : i32
    %dma_wait3A_121 = tpu.memref_slice %arg7[%dma_wait3A_117, %dma_wait3A_119, %dma_wait3A_120] : memref<4x80x128xf32, #tpu.memory_space<vmem>> -> memref<1x80x128xf32, #tpu.memory_space<vmem>>
    %dma_wait3A_122 = tpu.memref_squeeze %dma_wait3A_121 : memref<1x80x128xf32, #tpu.memory_space<vmem>> -> memref<80x128xf32, #tpu.memory_space<vmem>>
    %dma_wait3A_123 = arith.constant 0 : i32
    %dma_wait3A_124 = tpu.memref_slice %arg4[%add3A_116, %dma_wait3A_123] : memref<204800x128xf32, #tpu.memory_space<hbm>> -> memref<80x128xf32, #tpu.memory_space<hbm>>
    %dma_wait3A_125 = tpu.memref_slice %arg10[%dma_wait3A_118] : memref<4x!tpu.dma_semaphore, #tpu.memory_space<semaphore_mem>> -> memref<1x!tpu.dma_semaphore, #tpu.memory_space<semaphore_mem>>
    %dma_wait3A_126 = tpu.memref_squeeze %dma_wait3A_125 : memref<1x!tpu.dma_semaphore, #tpu.memory_space<semaphore_mem>> -> memref<!tpu.dma_semaphore, #tpu.memory_space<semaphore_mem>>
    %dma_wait3A_127 = arith.constant 0 : i32
    %dma_wait3A_128 = tpu.memref_slice %arg4[%add3A_116, %dma_wait3A_127] : memref<204800x128xf32, #tpu.memory_space<hbm>> -> memref<80x128xf32, #tpu.memory_space<hbm>>
    %dma_wait3A_129 = arith.constant 0 : i32
    %dma_wait3A_130 = arith.constant 0 : i32
    %dma_wait3A_131 = tpu.memref_slice %arg7[%dma_wait3A_117, %dma_wait3A_129, %dma_wait3A_130] : memref<4x80x128xf32, #tpu.memory_space<vmem>> -> memref<1x80x128xf32, #tpu.memory_space<vmem>>
    %dma_wait3A_132 = tpu.memref_squeeze %dma_wait3A_131 : memref<1x80x128xf32, #tpu.memory_space<vmem>> -> memref<80x128xf32, #tpu.memory_space<vmem>>
    tpu.wait_dma2 semaphore(%dma_wait3A_126 : memref<!tpu.dma_semaphore, #tpu.memory_space<semaphore_mem>>) src(%dma_wait3A_132 : memref<80x128xf32, #tpu.memory_space<vmem>>) dst(%dma_wait3A_128 : memref<80x128xf32, #tpu.memory_space<hbm>>)
    return
  }
}

</mosaic_0001>

<sc_bundles>
// kernel: kernel.3.cloned.1.call-start
scs
__scs_entry_jumppad:
0x0: {  	(pc) =	sbr.rel $0x88, $3  }
0x1: {  	(tag) =	ssettag $0x0;
	lr =	simm.s32 $0x1  }
0x2: {  	[smem:$0x3F9F] =	sst lr;
	_ =	strace $0xD0000000  }
0x3: {  	_ = 	snop  }
0x4: {  	_ = 	snop  }
0x5: {  	_ = 	snop  }
0x6: {  	_ = 	snop  }
0x7: {  	_ = 	snop  }
__scs_overlays_trampoline_lowered:
0x8: {  	[smem:$0x3FAE] =	sst s0  }
0x9: {  	[smem:$0x3FAF] =	sst s1  }
0xa: {  	[smem:$0x3FB0] =	sst s2  }
0xb: {  	[smem:$0x3FB1] =	sst s3  }
0xc: {  	[smem:$0x3FB2] =	sst s4  }
0xd: {  	[smem:$0x3FB3] =	sst s5  }
0xe: {  	[smem:$0x3FB4] =	sst s6  }
0xf: {  	[smem:$0x3FB5] =	sst s7  }
0x10: {  	[smem:$0x3FB6] =	sst s8  }
0x11: {  	[smem:$0x3FB7] =	sst s9;
	s0 =	simm.s32 @!p0 $0x0  }
0x12: {  	s1 =	sld [smem:$0x3F9D];
	s0 =	simm.s32 @p0 $0x1  }
0x13: {  	[smem:$0x3FB8] =	sst s0;
	s0 =	simm.s32 @!p1 $0x0  }
0x14: {  	s2 =	sld [smem:$0x3F9C];
	s0 =	simm.s32 @p1 $0x1  }
0x15: {  	[smem:$0x3FB9] =	sst s0;
	s0 =	simm.s32 @!p2 $0x0  }
0x16: {  	s3 =	sld [smem:$0x3FDB];
	s0 =	simm.s32 @p2 $0x1  }
0x17: {  	s4 =	simm.s32 $0x1BF5;
	[smem:$0x3FBB] =	sst s0  }
0x18: {  	s0 =	sld [smem:$0x3F9E];
	_ =	swait.ge [sflag:s4], $0x0  }
0x19: {  	s7 =	sld [smem:$0x3F9F]  }
0x1a: {  	s8 =	sadd.s32 $0xFFFFE003, lr  }
0x1b: {  	s9 =	sadd.s32 $0xFFFFFEF7, lr;
	s5 =	simm.s32 $0xFFFFFFFF;
	p2 =	slt.u32 s8, $0xFFFFF086  }
0x1c: {  	p1 =	slt.u32 s9, $0xF7A;
	s5 =	simm.s32 @!p2 $0x0  }
0x1d: {  	s5 =	simm.s32 @p1 $0x1;
	p0 =	seq.s32 s7, s2  }
0x1e: {  	s7 =	smul.u32 @!p0 $0xF7A, s2;
	p2 =	seq.s32 @!p0 s5, $0x0  }
0x1f: {  	s9 =	smul.u32 $0xF7A, s1;
	s8 =	simm.s32 @!p0 $0x1BF5;
	p2 =	por !p2, p0  }
0x20: {  	[sflag:s8] =	ssyncset.s32 @!p0 $0xFFFFF086;
	s6 =	sadd.s32 @!p0 s3, s7;
	s7 =	simm.s32 @!p0 $0x108  }
0x21: {  	s3 =	sadd.s32 s3, s9;
	s6 =	sadd.s32 @!p0 $0x88, s6;
	s7 =	simm.s32 @p2 $0x1082  }
0x22: {  	[simem:s7], [sflag:s8] =	dma.local @!p0 [hbm:s6], $0xF7A  }
0x23: {  	s9 =	sor.u32 $0xD0000000, s2;
	s6 =	simm.s32 $0x108;
	_ =	swait.ge @!p0 [sflag:s8], $0x0  }
0x24: {  	s3 =	sadd.s32 $0x88, s3;
	s6 =	simm.s32 @!p1 $0x1082;
	[sflag:s4] =	ssyncset.s32 $0xFFFFF086  }
0x25: {  	[simem:s6], [sflag:s4] =	dma.local [hbm:s3], $0xF7A  }
0x26: {  	[smem:$0x3F9F] =	sst s1;
	(tag) =	ssettag s2;
	_ =	strace s9  }
0x27: {  	s1 =	sld [smem:$0x3FAF]  }
0x28: {  	s2 =	sld [smem:$0x3FB0]  }
0x29: {  	s4 =	sld [smem:$0x3FB2]  }
0x2a: {  	p0 =	seq.s32 s5, $0x0;
	s5 =	sld [smem:$0x3FB3]  }
0x2b: {  	s6 =	sld [smem:$0x3FB4]  }
0x2c: {  	s7 =	sld [smem:$0x3FB5]  }
0x2d: {  	s3 =	simm.s32 $0x108;
	s8 =	sld [smem:$0x3FB6]  }
0x2e: {  	s3 =	simm.s32 @!p0 $0x1082;
	s9 =	sld [smem:$0x3FB7]  }
0x2f: {  	lr =	sadd.s32 s0, s3;
	s0 =	sld [smem:$0x3FAE]  }
0x30: {  	s3 =	sld [smem:$0x3FB1]  }
0x31: {  	[smem:$0x3FBA] =	sst s10  }
0x32: {  	s10 =	sld [smem:$0x3FB8];
	_ =	sdelay $0x3  }
0x33: {  	p0 =	seq.s32 s10, $0x1;
	s10 =	sld [smem:$0x3FBA];
	_ =	sdelay $0x3  }
0x34: {  	[smem:$0x3FBA] =	sst s10  }
0x35: {  	s10 =	sld [smem:$0x3FB9];
	_ =	sdelay $0x3  }
0x36: {  	p1 =	seq.s32 s10, $0x1;
	s10 =	sld [smem:$0x3FBA];
	_ =	sdelay $0x3  }
0x37: {  	[smem:$0x3FBA] =	sst s10  }
0x38: {  	s10 =	sld [smem:$0x3FBB]  }
0x39: {  	_ = 	snop;
	(pc) =	sbr.ind lr, $3  }
0x3a: {  	_ = 	snop  }
0x3b: {  	_ = 	snop  }
0x3c: {  	p2 =	seq.s32 s10, $0x1;
	s10 =	sld [smem:$0x3FBA]  }
0x3d: {  	_ =	shalt  }
0x3e: {  	_ =	shalt  }
0x3f: {  	_ =	shalt  }
0x40: {  	_ =	shalt  }
0x41: {  	_ =	shalt  }
0x42: {  	_ =	shalt  }
0x43: {  	_ =	shalt  }
0x44: {  	_ =	shalt  }
0x45: {  	_ =	shalt  }
0x46: {  	_ =	shalt  }
0x47: {  	_ =	shalt  }
0x48: {  	_ =	shalt  }
0x49: {  	_ =	shalt  }
0x4a: {  	_ =	shalt  }
0x4b: {  	_ =	shalt  }
0x4c: {  	_ =	shalt  }
0x4d: {  	_ =	shalt  }
0x4e: {  	_ =	shalt  }
0x4f: {  	_ =	shalt  }
0x50: {  	_ =	shalt  }
0x51: {  	_ =	shalt  }
0x52: {  	_ =	shalt  }
0x53: {  	_ =	shalt  }
0x54: {  	_ =	shalt  }
0x55: {  	_ =	shalt  }
0x56: {  	_ =	shalt  }
0x57: {  	_ =	shalt  }
0x58: {  	_ =	shalt  }
0x59: {  	_ =	shalt  }
0x5a: {  	_ =	shalt  }
0x5b: {  	_ =	shalt  }
0x5c: {  	_ =	shalt  }
0x5d: {  	_ =	shalt  }
0x5e: {  	_ =	shalt  }
0x5f: {  	_ =	shalt  }
0x60: {  	_ =	shalt  }
0x61: {  	_ =	shalt  }
0x62: {  	_ =	shalt  }
0x63: {  	_ =	shalt  }
0x64: {  	_ =	shalt  }
0x65: {  	_ =	shalt  }
0x66: {  	_ =	shalt  }
0x67: {  	_ =	shalt  }
0x68: {  	_ =	shalt  }
0x69: {  	_ =	shalt  }
0x6a: {  	_ =	shalt  }
0x6b: {  	_ =	shalt  }
0x6c: {  	_ =	shalt  }
0x6d: {  	_ =	shalt  }
0x6e: {  	_ =	shalt  }
0x6f: {  	_ =	shalt  }
0x70: {  	_ =	shalt  }
0x71: {  	_ =	shalt  }
0x72: {  	_ =	shalt  }
0x73: {  	_ =	shalt  }
0x74: {  	_ =	shalt  }
0x75: {  	_ =	shalt  }
0x76: {  	_ =	shalt  }
0x77: {  	_ =	shalt  }
0x78: {  	_ =	shalt  }
0x79: {  	_ =	shalt  }
0x7a: {  	_ =	shalt  }
0x7b: {  	_ =	shalt  }
0x7c: {  	_ =	shalt  }
0x7d: {  	_ =	shalt  }
0x7e: {  	_ =	shalt  }
0x7f: {  	_ =	shalt  }
0x80: {  	_ =	shalt  }
0x81: {  	_ =	shalt  }
0x82: {  	_ =	shalt  }
0x83: {  	_ =	shalt  }
0x84: {  	_ =	shalt  }
0x85: {  	_ =	shalt  }
0x86: {  	_ =	shalt  }
0x87: {  	_ =	shalt  }
.Lfunc_end0:
.L_simem_size_0:
called_computation_lowered:
.L_overlay_start_0:
0x88: {  	s2 =	sld [smem:$0x3FD9]  }
0x89: {  	s3 =	sld [smem:$0x3FFE];
	_ =	sdelay $0x1  }
0x8a: {  	s1 =	srdreg.scid  }
0x8b: {  	s0 =	sand.u32 $0x1, s1  }
0x8c: {  	s17 =	sshll.u32 s0, $0xA;
	s2 =	sadd.s32 s3, s2  }
0x8d: {  	s2 =	sadd.s32 s2, s17  }
0x8e: {  	[smem:$0x3FC6] =	sst s2  }
0x8f: {  	_ = 	snop  }
0x90: {  	s2 =	sld [smem:$0x3FC8]  }
0x91: {  	s18 =	sld [smem:$0x3FD0];
	(tm) =	ssettm $0x1  }
0x92: {  	s4 =	sld [smem:$0x3FFB];
	_ =	sdelay $0x3  }
0x93: {  	_ =	strace s4  }
0x94: {  	s4 =	sld [smem:$0x3FFC];
	_ =	sdelay $0x3  }
0x95: {  	_ =	strace s4  }
0x96: {  	s4 =	sld [smem:$0x3FFD];
	_ =	sdelay $0x3  }
0x97: {  	_ =	strace s4  }
0x98: {  	_ =	strace $0x8FFFFFFF  }
0x99: {  	s19 =	sld [smem:$0x3FDB];
	_ =	sdelay $0x1  }
0x9a: {  	s5 =	simm.s32 $_scs_section_size  }
0x9b: {  	s6 =	simm.s32 $_size__tile_overlayer_lowered;
	s7 =	simm.s32 $_tile_overlayer_lowered  }
0x9c: {  	s22 =	simm.s32 $0x1BFF;
	s21 =	sshll.u32 s7, $0x1;
	s4 =	sadd.s32 s5, s19  }
0x9d: {  	s8 =	simm.s32 $0x0;
	s20 =	sshll.u32 s6, $0x1;
	s6 =	sadd.s32 s21, s4  }
0x9e: {  	[timem:s8], [sflag:s22] =	dma.local [hbm:s6], s20  }
0x9f: {  	_ =	swait.ge [sflag:s22], s20  }
0xa0: {  	s5 =	ssub.s32 $0x0, s20;
	[sflag:s22] =	ssyncset.done $0x0  }
0xa1: {  	[sflag:s22] =	ssyncadd.s32 s5;
	_ =	sdelay $0x1  }
0xa2: {  	s23 =	simm.s32 $0x1B8B  }
0xa3: {  	_ =	swait.ge [sflag:s23], $0x1  }
0xa4: {  	[sflag:s23] =	ssyncset.done $0x0  }
0xa5: {  	s25 =	simm.s32 $0x1B8E;
	s24 =	sld [smem:$0x3FFE];
	[sflag:s23] =	ssyncadd.s32 $0xFFFFFFFF  }
0xa6: {  	s26 =	simm.s32 $execute0_lowered;
	[smem:$0x3FD2] =	sst s25  }
0xa7: {  	s6 =	sshll.u32 s26, $0x1;
	_ =	strace $0x80000046;
	[dreg:$0x1] =	wrdreg $0xFFFFFFFF  }
0xa8: {  	s28 =	simm.s32 $_size_execute0_lowered;
	s4 =	sadd.s32 s4, s6;
	[dreg:$0x0] =	wrdreg $0x0  }
0xa9: {  	s6 =	sshll.u32 s28, $0x1;
	[dreg:$0x2] =	wrdreg s4  }
0xaa: {  	[dreg:$0x3] =	wrdreg s6  }
0xab: {  	[dreg:$0x4] =	wrdreg $0xC0  }
0xac: {  	_ =	task [dreg:s8], $0x5FFFF  }
0xad: {  	[dreg:$0x1] =	wrdreg $0xFFFFFFFF  }
0xae: {  	[dreg:$0x0] =	wrdreg $0x60  }
0xaf: {  	[dreg:$0x2] =	wrdreg s2  }
0xb0: {  	[dreg:$0x3] =	wrdreg s24  }
0xb1: {  	[dreg:$0x4] =	wrdreg s18  }
0xb2: {  	[dreg:$0x5] =	wrdreg $0x0  }
0xb3: {  	[dreg:$0x6] =	wrdreg $0x9  }
0xb4: {  	_ =	task.clear_ibuf [dreg:s8], $0x7FFFF;
	_ =	strace $0x90000046  }
0xb5: {  	s29 =	simm.s32 $0x9;
	_ =	strace $0x80000048  }
0xb6: {  	_ =	swait.ge [sflag:s29], $0x1  }
0xb7: {  	[sflag:s29] =	ssyncadd.s32 $0xFFFFFFFF  }
0xb8: {  	_ =	strace $0x90000048  }
0xb9: {  	_ =	sfence  }
0xba: {  	s30 =	sld [smem:$0x0];
	_ =	sdelay $0x2  }
0xbb: {  	s31 =	sshll.u32 s1, $0xD;
	s1 =	sshrl.u32 s1, $0x2  }
0xbc: {  	s3 =	sand.u32 $0x4000, s31;
	s1 =	sadd.s32 s1, s30  }
0xbd: {  	s0 =	sor.u32 s3, s0;
	s1 =	sshll.u32 s1, $0x11  }
0xbe: {  	s0 =	sor.u32 s1, s0  }
0xbf: {  	s0 =	sadd.s32 $0x8F2B, s0  }
0xc0: {  	[sflag:s0] =	ssyncadd.remote.s32 $0x1  }
0xc1: {  	_ =	sfence.sel $0xFFFF  }
0xc2: {  	[dreg:$0x0] =	wrdreg $0xFFFFFFFF;
	(pc) =	sbr.abs _section_cstart, $3  }
0xc3: {  	[dreg:$0x1] =	wrdreg $0xFFFFFFFF  }
0xc4: {  	_ =	task.clear_ibuf [dreg:s8], $0x2FFFF;
	_ =	strace $0x9FFFFFFF  }
0xc5: {  	(tm) =	ssettm $0x7FFFFFFF  }
tec
execute0_lowered:
.L_overlay_start_1:
0x0: {  	(tag) =	ssettag $0x1  }
0x1: {  	s0 =	rddreg [dreg:$0x1]  }
0x2: {  	s1 =	rddreg [dreg:$0x2];
	s2 =	srdreg.scid  }
0x3: {  	s6 =	stileid.u32;
	s3 =	rddreg [dreg:$0x3];
	s4 =	simm.s32 $0x0  }
0x4: {  	s13 =	simm.s32 $0x50;
	s14 =	simm.s32 $0x52D0;
	s31 =	simm.s32 $0x2AD0  }
0x5: {  	s15 =	simm.s32 $0x2;
	s16 =	simm.s32 $0x7AD0;
	s17 =	simm.s32 $0x3  }
0x6: {  	s2 =	sand.u32 $0x1, s2;
	s5 =	sshll.u32 s6, $0x1;
	s10 =	smul.u32 $0x32000, s6  }
0x7: {  	s5 =	sor.u32 s2, s5;
	s8 =	ssub.s32 $0x2, s2;
	s2 =	smul.u32 $0x19000, s2  }
0x8: {  	s18 =	simm.s32 $0xA2D0;
	[smem:$0x7FF] =	sst s4;
	s7 =	smul.u32 $0x500, s5  }
0x9: {  	_ =	strace $0x80000047;
	[dreg:$0x5] =	wrdreg s31;
	s9 =	smul.u32 $0xC8000, s5  }
0xa: {  	s24 =	sshrl.u32 s8, $0x1;
	s26 =	sadd.s32 s10, s1;
	s0 =	sadd.s32 s7, s0  }
0xb: {  	s7 =	ssub.s32 s8, s24;
	s25 =	sshrl.u32 s9, $0x3;
	s0 =	sadd.s32 $0x400, s0  }
0xc: {  	s8 =	sadd.s32 s1, s25;
	s30 =	smax.u32 s7, $0x1;
	[dreg:$0x6] =	wrdreg s0  }
0xd: {  	s29 =	sadd.s32 s2, s26;
	s28 =	sadd.s32 $0x18B00, s8;
	[dreg:$0x8] =	wrdreg s30  }
0xe: {  	p0 =	sne.s32 s6, $0x0;
	s0 =	sadd.s32 $0xFFFFFB00, s29;
	[dreg:$0x7] =	wrdreg s28  }
0xf: {  	s19 =	simm.s32 $0x4;
	[dreg:$0x9] =	wrdreg s0;
	s0 =	sshrl.u32 @!p0 s3, $0x3  }
0x10: {  	s5 =	smul.u32 $0x1900, s5;
	s25 =	simm.s32 $0x0;
	[dreg:$0xa] =	wrdreg s0  }
.LBB2_1:
0x11: {  	s0 =	rddreg [dreg:$0x6]  }
0x12: {  	s2 =	simm.s32 $0x2D0;
	s6 =	rddreg [dreg:$0xa]  }
0x13: {  	[tilespmem:s2], [sflag:$0x1] =	stream.linear.gather [hbm4b:s0+s4], $0x2800, $0x38;
	[tilespmem:$0xCAD0] =	vst v63  }
0x14: {  	s0 =	simm.s32 @!p0 $0x1C0A;
	s2 =	rddreg [dreg:$0x0]  }
0x15: {  	[spmem:s6], [sflag:s0] =	dma.local @!p0 [hbm:s2], $0x5A0  }
0x16: {  	s0 =	simm.s32 @!p0 $0xA  }
0x17: {  	_ =	swait.ge @!p0 [sflag:s0], $0x5A0  }
0x18: {  	[sflag:s0] =	ssyncset.done @!p0 $0x0  }
0x19: {  	[sflag:s0] =	ssyncadd.s32 @!p0 $0xFFFFFA60  }
0x1a: {  	s31 =	simm.s32 $0x1;
	[bflag:$0x0] =	sbarrier.arrive $0xFFFF  }
0x1b: {  	_ =	swait.ge [sflag:s31], $0x2800  }
0x1c: {  	[sflag:s31] =	ssyncset.done $0x0  }
0x1d: {  	s0 =	simm.s32 $0x0;
	[sflag:s31] =	ssyncadd.s32 $0xFFFFD800  }
0x1e: {  	v2 =	vld [tilespmem:s0+$0x2D0]  }
0x1f: {  	v3 =	vld [tilespmem:s0+$0x2E0]  }
0x20: {  	v1 =	vld [tilespmem:s0+$0x2F0]  }
0x21: {  	s2 =	simm.s32 $0x200;
	v0 =	vld [tilespmem:s0+$0x300]  }
.LBB2_2:
0x22: {  	p1 =	sne.s32 s2, $0x9E00;
	v4 =	vld [tilespmem:s0+$0x310]  }
0x23: {  	vm0 =	vgt.s32 v2, $0x0  }
0x24: {  	v2 =	vnsel vm0, $0x0, v2;
	vm0 =	vgt.s32 v3, $0x0  }
0x25: {  	v2 =	vmin.u32 v2, $0x59;
	v3 =	vnsel vm0, $0x0, v3;
	vm0 =	vgt.s32 v1, $0x0  }
.Ltmp0:
0x26: {  	s6 =	sshra.s32 s2, $0x2;
	[tilespmem:s0+$0x2D0] =	vst v2;
	v3 =	vmin.u32 v3, $0x59;
	v1 =	vnsel vm0, $0x0, v1;
	vm0 =	vgt.s32 v0, $0x0;
	(pc) =	sbr.rel @p1 .LBB2_2-.Ltmp0, $4  }
0x27: {  	v2 =	vld [tilespmem:s6+$0x2D0];
	[tilespmem:s0+$0x2E0] =	vst v3;
	v1 =	vmin.u32 v1, $0x59;
	v0 =	vnsel vm0, $0x0, v0;
	vm0 =	vgt.s32 v4, $0x0  }
0x28: {  	v3 =	vld [tilespmem:s6+$0x2E0];
	[tilespmem:s0+$0x2F0] =	vst v1;
	v0 =	vmin.u32 v0, $0x59;
	v4 =	vnsel vm0, $0x0, v4  }
0x29: {  	v1 =	vld [tilespmem:s6+$0x2F0];
	[tilespmem:s0+$0x300] =	vst v0;
	v4 =	vmin.u32 v4, $0x59  }
0x2a: {  	s2 =	sadd.s32 $0x200, s2;
	v0 =	vld [tilespmem:s6+$0x300];
	[tilespmem:s0+$0x310] =	vst v4;
	s0 =	smov.u32 s6  }
0x2b: {  	v4 =	vld [tilespmem:s0+$0x310]  }
0x2c: {  	vm0 =	vgt.s32 v2, $0x0  }
0x2d: {  	v2 =	vnsel vm0, $0x0, v2;
	vm12 =	vgt.s32 v3, $0x0  }
0x2e: {  	v2 =	vmin.u32 v2, $0x59;
	v3 =	vnsel vm12, $0x0, v3;
	vm13 =	vgt.s32 v1, $0x0  }
0x2f: {  	[tilespmem:s0+$0x2D0] =	vst v2;
	v61 =	vmin.u32 v3, $0x59;
	v1 =	vnsel vm13, $0x0, v1;
	vm14 =	vgt.s32 v0, $0x0  }
0x30: {  	[tilespmem:s0+$0x2E0] =	vst v61;
	v1 =	vmin.u32 v1, $0x59;
	v0 =	vnsel vm14, $0x0, v0;
	vm15 =	vgt.s32 v4, $0x0  }
0x31: {  	p1 =	por $0x0, $0x0;
	s2 =	simm.s32 $0x1;
	s26 =	simm.s32 $0x800;
	[tilespmem:s0+$0x2F0] =	vst v1;
	v0 =	vmin.u32 v0, $0x59;
	v62 =	vnsel vm15, $0x0, v4  }
0x32: {  	s11 =	simm.s32 $0x5;
	s22 =	simm.s32 $0x3D0;
	p2 =	por p1, p1;
	[tilespmem:s0+$0x300] =	vst v0;
	v63 =	vmin.u32 v62, $0x59  }
0x33: {  	s7 =	simm.s32 @p1 $0x2D0;
	s2 =	simm.s32 @!p1 $0x1;
	s6 =	simm.s32 @p2 $0x6;
	[tilespmem:s0+$0x310] =	vst v63  }
0x34: {  	s8 =	simm.s32 @p2 $0x2AD0;
	s10 =	simm.s32 @p2 $0x5;
	_ =	swait.ge @p2 [sflag:s6], $0x2800  }
0x35: {  	s20 =	smul.u32 $0x50, s2;
	s0 =	simm.s32 $0x0;
	[sflag:s6] =	ssyncset.done @p2 $0x0  }
0x36: {  	s0 =	simm.s32 @!p1 $0x0;
	[sflag:s6] =	ssyncadd.s32 @p2 $0xFFFFD800;
	s6 =	simm.s32 @p2 $0x50  }
0x37: {  	[tilespmem:s8], [sflag:$0x2] =	stream.indirect.gather @p2 [spmem:s3], $0x80, s7, s6, $0xb8;
	[tilespmem:$0xCAD0] =	vst v63  }
0x38: {  	s2 =	sshll.u32 s2, $0x7;
	s0 =	sadd.s32 s5, s0;
	_ =	swait.ge @p2 [sflag:s10], $0x2800  }
0x39: {  	s7 =	simm.s32 @p2 $0x7;
	s8 =	simm.s32 @p2 $0x0;
	[sflag:s10] =	ssyncset.done @p2 $0x0  }
0x3a: {  	s9 =	rddreg [dreg:$0x9];
	[sflag:s10] =	ssyncadd.s32 @p2 $0xFFFFD800;
	s10 =	simm.s32 @p2 $0xA2D0  }
0x3b: {  	[hbm4b:s9+s8] =	stream.linear.scatter @p2 [tilespmem:s10], [sflag:$0x9], $0x2800, $0x38;
	[tilespmem:$0xCAD0] =	vst v63  }
0x3c: {  	s2 =	sand.u32 $0x3FFFFF80, s2;
	s0 =	sshll.u32 s0, $0x4;
	_ =	swait.ge @p2 [sflag:s7], $0x2800  }
0x3d: {  	s6 =	sadd.s32 s5, s20;
	s8 =	simm.s32 @!p2 $0x2AD0;
	[sflag:s7] =	ssyncset.done @p2 $0x0  }
0x3e: {  	s10 =	simm.s32 @!p2 $0x2D0;
	[sflag:s7] =	ssyncadd.s32 @p2 $0xFFFFD800;
	s7 =	simm.s32 @!p2 $0x50  }
0x3f: {  	[tilespmem:s8], [sflag:$0x2] =	stream.indirect.gather @!p2 [spmem:s3], $0x80, s10, s7, $0xb8;
	[tilespmem:$0xCAD0] =	vst v63  }
0x40: {  	s2 =	sadd.s32 $0x2D0, s2;
	s0 =	sadd.s32 s1, s0;
	s6 =	sshll.u32 s6, $0x4  }
0x41: {  	[tilespmem:s14], [sflag:$0x3] =	stream.indirect.gather [spmem:s3], $0x80, s2, s13, $0xb8;
	[tilespmem:$0xCAD0] =	vst v63  }
0x42: {  	s6 =	sadd.s32 s1, s6;
	s29 =	sadd.s32 $0x1400, s9;
	_ =	swait.ge [sflag:s15], $0x2800  }
0x43: {  	s7 =	simm.s32 @p1 $0x2D0;
	s8 =	simm.s32 $0x140;
	[sflag:s15] =	ssyncset.done $0x0  }
0x44: {  	p2 =	por $0x1, $0x1;
	s21 =	rddreg [dreg:$0x5];
	[sflag:s15] =	ssyncadd.s32 $0xFFFFD800  }
0x45: {  	[hbm4b:s0+s4] =	stream.linear.scatter [tilespmem:s21], [sflag:$0x6], $0x2800, $0x38;
	[tilespmem:$0xCAD0] =	vst v63  }
0x46: {  	s7 =	simm.s32 @!p1 $0x2D0;
	p1 =	por $0x1, $0x1;
	s0 =	simm.s32 @!p2 $0x8  }
0x47: {  	s2 =	simm.s32 $0x1000;
	s8 =	simm.s32 @!p1 $0x0;
	_ =	swait.ge @!p2 [sflag:s0], $0x2800  }
0x48: {  	s11 =	simm.s32 @!p1 $0x1;
	s10 =	simm.s32 @p1 $0x4D0;
	[sflag:s0] =	ssyncset.done @!p2 $0x0  }
0x49: {  	s24 =	sadd.s32 $0x180, s7;
	s7 =	simm.s32 $0x9;
	[sflag:s0] =	ssyncadd.s32 @!p2 $0xFFFFD800  }
0x4a: {  	[tilespmem:s16], [sflag:$0x4] =	stream.indirect.gather [spmem:s3], $0x80, s22, s13, $0xb8;
	[tilespmem:$0xCAD0] =	vst v63  }
0x4b: {  	s12 =	smul.u32 $0x50, s11;
	s8 =	sadd.s32 s5, s8;
	_ =	swait.ge [sflag:s17], $0x2800  }
0x4c: {  	s11 =	sshll.u32 s11, $0x7;
	s30 =	sshll.u32 s8, $0x4;
	[sflag:s17] =	ssyncset.done $0x0  }
0x4d: {  	s8 =	simm.s32 @!p2 $0x9;
	s23 =	sadd.s32 s5, s12;
	[sflag:s17] =	ssyncadd.s32 $0xFFFFD800  }
0x4e: {  	[hbm4b:s6+s4] =	stream.linear.scatter [tilespmem:s14], [sflag:$0x7], $0x2800, $0x38;
	[tilespmem:$0xCAD0] =	vst v63  }
0x4f: {  	s31 =	sand.u32 $0x3FFFFF80, s11;
	s28 =	sshll.u32 s23, $0x4;
	_ =	swait.ge @!p2 [sflag:s8], $0x2800  }
0x50: {  	s23 =	sadd.s32 $0xF00, s9;
	s0 =	simm.s32 @p1 $0x4D0;
	[sflag:s8] =	ssyncset.done @!p2 $0x0  }
0x51: {  	s0 =	simm.s32 @!p1 $0x2D0;
	p1 =	por p1, p1;
	[sflag:s8] =	ssyncadd.s32 @!p2 $0xFFFFD800  }
0x52: {  	[tilespmem:s18], [sflag:$0x5] =	stream.indirect.gather [spmem:s3], $0x80, s24, s13, $0xb8;
	[tilespmem:$0xCAD0] =	vst v63  }
0x53: {  	s21 =	simm.s32 @p1 $0x2AD0;
	s22 =	simm.s32 @p1 $0x6;
	_ =	swait.ge [sflag:s19], $0x2800  }
0x54: {  	s20 =	simm.s32 @p1 $0x5;
	s6 =	simm.s32 $0x280;
	[sflag:s19] =	ssyncset.done $0x0  }
.LBB2_4:
0x55: {  	p2 =	sne.s32 s2, $0x0;
	[sflag:s19] =	ssyncadd.s32 $0xFFFFD800;
	s12 =	smov.u32 s2  }
0x56: {  	[hbm4b:s23+s4] =	stream.linear.scatter [tilespmem:s16], [sflag:$0x8], $0x2800, $0x38;
	[tilespmem:$0xCAD0] =	vst v63  }
0x57: {  	s11 =	smov.u32 s0;
	s0 =	sshra.s32 @p2 s12, $0x2;
	s23 =	smov.u32 s6  }
0x58: {  	_ =	swait.ge @p1 [sflag:s22], $0x2800;
	s24 =	sadd.s32 @p2 $0x2D0, s0;
	s0 =	smov.u32 s7  }
0x59: {  	s23 =	simm.s32 @!p2 $0x0;
	s0 =	simm.s32 @!p2 $0x1;
	[sflag:s22] =	ssyncset.done @p1 $0x0  }
0x5a: {  	s9 =	smul.u32 $0x50, s0;
	[sflag:s22] =	ssyncadd.s32 @p1 $0xFFFFD800;
	s22 =	simm.s32 @p1 $0x50  }
0x5b: {  	[tilespmem:s21], [sflag:$0x2] =	stream.indirect.gather @p1 [spmem:s3], $0x80, s10, s22, $0xb8;
	[tilespmem:$0xCAD0] =	vst v63  }
0x5c: {  	s0 =	sshll.u32 s0, $0x7;
	s21 =	sadd.s32 s5, s23;
	_ =	swait.ge @p1 [sflag:s20], $0x2800  }
0x5d: {  	s23 =	sand.u32 $0x3FFFFF80, s0;
	s0 =	simm.s32 @p1 $0x7;
	[sflag:s20] =	ssyncset.done @p1 $0x0  }
0x5e: {  	s22 =	simm.s32 @p1 $0xA2D0;
	[sflag:s20] =	ssyncadd.s32 @p1 $0xFFFFD800;
	s20 =	simm.s32 @p1 $0x0  }
0x5f: {  	[hbm4b:s29+s20] =	stream.linear.scatter @p1 [tilespmem:s22], [sflag:$0x9], $0x2800, $0x38;
	[tilespmem:$0xCAD0] =	vst v63  }
0x60: {  	_ =	swait.ge @p1 [sflag:s0], $0x2800  }
0x61: {  	s10 =	simm.s32 @!p1 $0x2AD0;
	[sflag:s0] =	ssyncset.done @p1 $0x0  }
0x62: {  	s22 =	simm.s32 @!p1 $0x2D0;
	[sflag:s0] =	ssyncadd.s32 @p1 $0xFFFFD800;
	s0 =	simm.s32 @!p1 $0x50  }
0x63: {  	[tilespmem:s10], [sflag:$0x2] =	stream.indirect.gather @!p1 [spmem:s3], $0x80, s22, s0, $0xb8;
	[tilespmem:$0xCAD0] =	vst v63  }
0x64: {  	s20 =	sshll.u32 s21, $0x4;
	s0 =	smov.u32 s24;
	s22 =	sadd.s32 $0x2D0, s31  }
0x65: {  	s10 =	smov.u32 s24;
	s31 =	smov.u32 s23;
	p1 =	por p2, p2  }
0x66: {  	[tilespmem:s14], [sflag:$0x3] =	stream.indirect.gather [spmem:s3], $0x80, s22, s13, $0xb8;
	[tilespmem:$0xCAD0] =	vst v63  }
0x67: {  	s24 =	sadd.s32 s1, s30;
	s30 =	smov.u32 s20;
	_ =	swait.ge [sflag:s15], $0x2800  }
0x68: {  	s0 =	simm.s32 @!p2 $0x2D0;
	p2 =	seq.s32 s26, $0x0;
	[sflag:s15] =	ssyncset.done $0x0  }
0x69: {  	s20 =	simm.s32 @!p2 $0x8;
	s23 =	rddreg [dreg:$0x5];
	[sflag:s15] =	ssyncadd.s32 $0xFFFFD800  }
0x6a: {  	[hbm4b:s24+s4] =	stream.linear.scatter [tilespmem:s23], [sflag:$0x6], $0x2800, $0x38;
	[tilespmem:$0xCAD0] =	vst v63  }
0x6b: {  	_ =	swait.ge @!p2 [sflag:s20], $0x2800  }
0x6c: {  	s2 =	sadd.s32 $0x800, s2;
	s22 =	sshra.s32 s26, $0x2;
	[sflag:s20] =	ssyncset.done @!p2 $0x0  }
0x6d: {  	s8 =	smov.u32 s29;
	s23 =	sadd.s32 $0x3D0, s22;
	[sflag:s20] =	ssyncadd.s32 @!p2 $0xFFFFD800  }
0x6e: {  	[tilespmem:s16], [sflag:$0x4] =	stream.indirect.gather [spmem:s3], $0x80, s23, s13, $0xb8;
	[tilespmem:$0xCAD0] =	vst v63  }
0x6f: {  	p3 =	sne.s32 s2, $0xA000;
	s9 =	sadd.s32 s5, s9;
	_ =	swait.ge [sflag:s17], $0x2800  }
0x70: {  	s9 =	sshll.u32 s9, $0x4;
	s24 =	sadd.s32 s1, s28;
	[sflag:s17] =	ssyncset.done $0x0  }
0x71: {  	s28 =	smov.u32 s9;
	s9 =	simm.s32 @!p2 $0x9;
	[sflag:s17] =	ssyncadd.s32 $0xFFFFD800  }
0x72: {  	[hbm4b:s24+s4] =	stream.linear.scatter [tilespmem:s14], [sflag:$0x7], $0x2800, $0x38;
	[tilespmem:$0xCAD0] =	vst v63  }
0x73: {  	s11 =	sadd.s32 $0x180, s11;
	s6 =	sadd.s32 $0x140, s6;
	_ =	swait.ge @!p2 [sflag:s9], $0x2800  }
.Ltmp1:
0x74: {  	s7 =	sadd.s32 $0x4, s7;
	[sflag:s9] =	ssyncset.done @!p2 $0x0;
	(pc) =	sbr.rel @p3 .LBB2_4-.Ltmp1, $4  }
0x75: {  	s29 =	sadd.s32 $0x1400, s29;
	s21 =	simm.s32 @p1 $0x2AD0;
	[sflag:s9] =	ssyncadd.s32 @!p2 $0xFFFFD800  }
0x76: {  	[tilespmem:s18], [sflag:$0x5] =	stream.indirect.gather [spmem:s3], $0x80, s11, s13, $0xb8;
	[tilespmem:$0xCAD0] =	vst v63  }
0x77: {  	s26 =	smov.u32 s12;
	s22 =	simm.s32 @p1 $0x6;
	_ =	swait.ge [sflag:s19], $0x2800  }
0x78: {  	s20 =	simm.s32 @p1 $0x5;
	s23 =	sadd.s32 $0xF00, s8;
	[sflag:s19] =	ssyncset.done $0x0  }
0x79: {  	[sflag:s19] =	ssyncadd.s32 $0xFFFFD800  }
0x7a: {  	[hbm4b:s23+s4] =	stream.linear.scatter [tilespmem:s16], [sflag:$0x8], $0x2800, $0x38;
	[tilespmem:$0xCAD0] =	vst v63  }
0x7b: {  	_ =	swait.ge @p1 [sflag:s22], $0x2800  }
0x7c: {  	[sflag:s22] =	ssyncset.done @p1 $0x0  }
0x7d: {  	s2 =	simm.s32 @p1 $0x50;
	[sflag:s22] =	ssyncadd.s32 @p1 $0xFFFFD800  }
0x7e: {  	[tilespmem:s21], [sflag:$0x2] =	stream.indirect.gather @p1 [spmem:s3], $0x80, s10, s2, $0xb8;
	[tilespmem:$0xCAD0] =	vst v63  }
0x7f: {  	_ =	swait.ge @p1 [sflag:s20], $0x2800  }
0x80: {  	s6 =	simm.s32 @p1 $0x0;
	[sflag:s20] =	ssyncset.done @p1 $0x0  }
0x81: {  	s7 =	simm.s32 @p1 $0xA2D0;
	s2 =	simm.s32 @p1 $0x7;
	[sflag:s20] =	ssyncadd.s32 @p1 $0xFFFFD800  }
0x82: {  	[hbm4b:s29+s6] =	stream.linear.scatter @p1 [tilespmem:s7], [sflag:$0x9], $0x2800, $0x38;
	[tilespmem:$0xCAD0] =	vst v63  }
0x83: {  	_ =	swait.ge @p1 [sflag:s2], $0x2800  }
0x84: {  	s6 =	simm.s32 @!p1 $0x2AD0;
	[sflag:s2] =	ssyncset.done @p1 $0x0  }
0x85: {  	s7 =	simm.s32 @!p1 $0x2D0;
	[sflag:s2] =	ssyncadd.s32 @p1 $0xFFFFD800;
	s2 =	simm.s32 @!p1 $0x50  }
0x86: {  	[tilespmem:s6], [sflag:$0x2] =	stream.indirect.gather @!p1 [spmem:s3], $0x80, s7, s2, $0xb8;
	[tilespmem:$0xCAD0] =	vst v63  }
0x87: {  	s9 =	sadd.s32 $0x2D0, s31  }
0x88: {  	[tilespmem:s14], [sflag:$0x3] =	stream.indirect.gather [spmem:s3], $0x80, s9, s13, $0xb8;
	[tilespmem:$0xCAD0] =	vst v63  }
0x89: {  	_ =	swait.ge [sflag:s15], $0x2800  }
0x8a: {  	s11 =	sadd.s32 s1, s30;
	p1 =	seq.s32 s26, $0x0;
	[sflag:s15] =	ssyncset.done $0x0  }
0x8b: {  	s2 =	simm.s32 @!p1 $0x8;
	s10 =	rddreg [dreg:$0x5];
	[sflag:s15] =	ssyncadd.s32 $0xFFFFD800  }
0x8c: {  	[hbm4b:s11+s4] =	stream.linear.scatter [tilespmem:s10], [sflag:$0x6], $0x2800, $0x38;
	[tilespmem:$0xCAD0] =	vst v63  }
0x8d: {  	_ =	swait.ge @!p1 [sflag:s2], $0x2800  }
0x8e: {  	s12 =	sshra.s32 s26, $0x2;
	[sflag:s2] =	ssyncset.done @!p1 $0x0  }
0x8f: {  	s20 =	sadd.s32 $0x3D0, s12;
	[sflag:s2] =	ssyncadd.s32 @!p1 $0xFFFFD800  }
0x90: {  	[tilespmem:s16], [sflag:$0x4] =	stream.indirect.gather [spmem:s3], $0x80, s20, s13, $0xb8;
	[tilespmem:$0xCAD0] =	vst v63  }
0x91: {  	_ =	swait.ge [sflag:s17], $0x2800  }
0x92: {  	[sflag:s17] =	ssyncset.done $0x0  }
0x93: {  	s21 =	sadd.s32 s1, s28;
	s2 =	simm.s32 @!p1 $0x9;
	[sflag:s17] =	ssyncadd.s32 $0xFFFFD800  }
0x94: {  	[hbm4b:s21+s4] =	stream.linear.scatter [tilespmem:s14], [sflag:$0x7], $0x2800, $0x38;
	[tilespmem:$0xCAD0] =	vst v63  }
0x95: {  	_ =	swait.ge @!p1 [sflag:s2], $0x2800  }
0x96: {  	[sflag:s2] =	ssyncset.done @!p1 $0x0  }
0x97: {  	s0 =	sadd.s32 $0x180, s0;
	[sflag:s2] =	ssyncadd.s32 @!p1 $0xFFFFD800  }
0x98: {  	[tilespmem:s18], [sflag:$0x5] =	stream.indirect.gather [spmem:s3], $0x80, s0, s13, $0xb8;
	[tilespmem:$0xCAD0] =	vst v63  }
0x99: {  	_ =	swait.ge [sflag:s19], $0x2800  }
0x9a: {  	[sflag:s19] =	ssyncset.done $0x0  }
0x9b: {  	s23 =	simm.s32 $0x5;
	s22 =	sadd.s32 $0xF00, s29;
	[sflag:s19] =	ssyncadd.s32 $0xFFFFD800  }
0x9c: {  	[hbm4b:s22+s4] =	stream.linear.scatter [tilespmem:s16], [sflag:$0x8], $0x2800, $0x38;
	[tilespmem:$0xCAD0] =	vst v63  }
0x9d: {  	_ =	swait.ge [sflag:s23], $0x2800  }
0x9e: {  	[sflag:s23] =	ssyncset.done $0x0  }
0x9f: {  	s26 =	simm.s32 $0x6;
	s24 =	rddreg [dreg:$0x7];
	[sflag:s23] =	ssyncadd.s32 $0xFFFFD800  }
0xa0: {  	[hbm4b:s24+s4] =	stream.linear.scatter [tilespmem:s18], [sflag:$0x9], $0x2800, $0x38;
	[tilespmem:$0xCAD0] =	vst v63  }
0xa1: {  	_ =	swait.ge [sflag:s26], $0x2800  }
0xa2: {  	[sflag:s26] =	ssyncset.done $0x0  }
0xa3: {  	s28 =	simm.s32 $0x7;
	[sflag:s26] =	ssyncadd.s32 $0xFFFFD800  }
0xa4: {  	_ =	swait.ge [sflag:s28], $0x2800  }
0xa5: {  	[sflag:s28] =	ssyncset.done $0x0  }
0xa6: {  	s29 =	simm.s32 $0x8;
	[sflag:s28] =	ssyncadd.s32 $0xFFFFD800  }
0xa7: {  	_ =	swait.ge [sflag:s29], $0x2800  }
0xa8: {  	[sflag:s29] =	ssyncset.done $0x0  }
0xa9: {  	s30 =	simm.s32 $0x9;
	[sflag:s29] =	ssyncadd.s32 $0xFFFFD800  }
0xaa: {  	_ =	swait.ge [sflag:s30], $0x2800  }
0xab: {  	s25 =	sadd.s32 $0x1, s25;
	s31 =	rddreg [dreg:$0x8]  }
0xac: {  	p1 =	sne.s32 s25, s31  }
.Ltmp2:
0xad: {  	_ = 	snop;
	(pc) =	sbr.rel @p1 .LBB2_1-.Ltmp2, $3  }
0xae: {  	_ =	sdelay $0x1  }
0xaf: {  	[sflag:s30] =	ssyncset.done $0x0  }
0xb0: {  	[sflag:s30] =	ssyncadd.s32 $0xFFFFD800  }
0xb1: {  	_ =	sfence.sel $0x180000  }
0xb2: {  	[bflag:$0x0] =	sbarrier.arrive $0xFFFF  }
0xb3: {  	_ =	strace $0x90000047  }
0xb4: {  	[bflag:$0x2] =	sbarrier.arrive $0xFFFF  }
0xb5: {  	s0 =	rddreg [dreg:$0x4]  }
0xb6: {  	s0 =	sadd.s32 @!p0 $0x100000, s0  }
0xb7: {  	[sflag:s0] =	ssyncadd.tile.s32 @!p0 $0x1;
	_ =	shalt  }
.Lfunc_end2:
_tile_overlayer_lowered:
.L_overlay_start_2:
0xb8: {  	(tag) =	ssettag $0x2  }
0xb9: {  	s0 =	rddreg [dreg:$0x0];
	s2 =	stileid.u32  }
0xba: {  	s1 =	rddreg [dreg:$0x1];
	p0 =	sne.s32 s2, $0x0  }
0xbb: {  	s3 =	rddreg [dreg:$0x2];
	[bflag:$0x3] =	sbarrier.arrive $0xFFFF;
	s2 =	simm.s32 @!p0 $0x1C0A  }
0xbc: {  	[timem:s3], [sflag:s2] =	dma.local @!p0 [hbm:s0], s1  }
0xbd: {  	s0 =	simm.s32 @!p0 $0xA  }
0xbe: {  	_ =	swait.ge @!p0 [sflag:s0], s1  }
0xbf: {  	s1 =	ssub.s32 @!p0 $0x0, s1;
	[sflag:s0] =	ssyncset.done @!p0 $0x0  }
0xc0: {  	[sflag:s0] =	ssyncadd.s32 @!p0 s1  }
0xc1: {  	[bflag:$0x3] =	sbarrier.arrive $0xFFFF  }
0xc2: {  	_ =	shalt  }

</sc_bundles>
